<compile_context>
chip_gen: v7x
topology: tpu7x:2x2x1
jax: 0.10.2.dev20260603
libtpu: 0.0.44.dev20260713+nightly
codegen_flags: <defaults>
</compile_context>

<pallas_src>
import functools

import jax
import jax.numpy as jnp
from jax import lax
from jax.experimental import pallas as pl
from jax.experimental.pallas import tpu as pltpu
from jax.experimental.pallas import tpu_sc as plsc

N = 10000
NP = 10240
F_IN = 128
C = 64
G = 64
NC = 2
NS = 16
NW = NC * NS
RPT = NP // NS
TBR = 2560
TG = NP // TBR
CHUNK = 128
NCH = 80
E_PAD = NW * NCH * CHUNK

_mesh = plsc.VectorSubcoreMesh(core_axis_name="c", subcore_axis_name="s")
_sc_params = pltpu.CompilerParams(use_tc_tiling_on_sc=False)


@functools.partial(
    pl.kernel,
    mesh=_mesh,
    out_type=jax.ShapeDtypeStruct((NC * NP, 16), jnp.float32),
    compiler_params=_sc_params,
    scratch_types=[
        pltpu.VMEM((NCH, CHUNK), jnp.int32),
        pltpu.VMEM((CHUNK, 16), jnp.float32),
        pltpu.VMEM_SHARED((NP, 16), jnp.float32),
        pltpu.SemaphoreType.DMA,
        pltpu.SemaphoreType.DMA,
    ],
)
def _deg_kernel(dst_hbm, ones_hbm, zeros_hbm, out_hbm, dst_v, ones_v, hist,
                sa, sb):
    c = lax.axis_index("c")
    s = lax.axis_index("s")
    wid = s * NC + c
    pltpu.sync_copy(dst_hbm.at[wid], dst_v)
    pltpu.sync_copy(ones_hbm, ones_v)
    pltpu.sync_copy(zeros_hbm, hist.at[pl.ds(s * RPT, RPT)])
    plsc.subcore_barrier()

    def start_s(sem, j):
        pltpu.make_async_copy(ones_v, hist.at[dst_v.at[j]],
                              sem).start(add=True)

    def wait_s(sem):
        pltpu.make_async_copy(ones_v, hist.at[dst_v.at[0]], sem).wait()

    start_s(sa, 0)

    def body(i, carry):
        j = 2 * i
        start_s(sb, j + 1)
        wait_s(sa)
        start_s(sa, j + 2)
        wait_s(sb)
        return carry

    lax.fori_loop(0, NCH // 2 - 1, body, 0)
    start_s(sb, NCH - 1)
    wait_s(sa)
    wait_s(sb)
    plsc.subcore_barrier()
    pltpu.sync_copy(hist.at[pl.ds(s * RPT, RPT)],
                    out_hbm.at[pl.ds(c * NP + s * RPT, RPT)])


GRP = 4
NGRP = NCH // GRP
NCHI = NCH + GRP


@functools.partial(
    pl.kernel,
    mesh=_mesh,
    out_type=jax.ShapeDtypeStruct((NC * NP, C), jnp.float32),
    compiler_params=_sc_params,
    scratch_types=[
        pltpu.VMEM((NCHI, CHUNK), jnp.int32),
        pltpu.VMEM((NCH, CHUNK), jnp.int32),
        pltpu.VMEM((CHUNK, C), jnp.float32),
        pltpu.VMEM((CHUNK, C), jnp.float32),
        pltpu.VMEM_SHARED((NP, C), jnp.float32),
        pltpu.VMEM_SHARED((NP, C), jnp.float32),
        pltpu.SemaphoreType.DMA,
        pltpu.SemaphoreType.DMA,
        pltpu.SemaphoreType.DMA,
        pltpu.SemaphoreType.DMA,
    ],
)
def _scatter_kernel(hs_hbm, src_hbm, dst_hbm, zeros_hbm, out_hbm,
                    src_v, dst_v, buf_a, buf_b, hs_s, acc,
                    sga, sgb, ssa, ssb):
    c = lax.axis_index("c")
    s = lax.axis_index("s")
    wid = s * NC + c
    pltpu.make_async_copy(src_hbm.at[wid], src_v, sga).start()
    pltpu.make_async_copy(dst_hbm.at[wid], dst_v, sgb).start()
    pltpu.make_async_copy(hs_hbm.at[pl.ds(s * RPT, RPT)],
                          hs_s.at[pl.ds(s * RPT, RPT)], ssa).start()
    pltpu.make_async_copy(zeros_hbm, acc.at[pl.ds(s * RPT, RPT)],
                          ssb).start()
    pltpu.make_async_copy(src_hbm.at[wid], src_v, sga).wait()
    pltpu.make_async_copy(dst_hbm.at[wid], dst_v, sgb).wait()
    pltpu.make_async_copy(hs_hbm.at[pl.ds(s * RPT, RPT)],
                          hs_s.at[pl.ds(s * RPT, RPT)], ssa).wait()
    pltpu.make_async_copy(zeros_hbm, acc.at[pl.ds(s * RPT, RPT)],
                          ssb).wait()
    plsc.subcore_barrier()

    def start_g(buf, sem, j):
        pltpu.make_async_copy(hs_s.at[src_v.at[j]], buf, sem).start()

    def wait_g(buf, sem):
        pltpu.make_async_copy(hs_s.at[src_v.at[0]], buf, sem).wait()

    start_g(buf_a, sga, 0)

    def body(i, carry):
        j = 2 * i
        wait_g(buf_a, sga)
        start_g(buf_b, sgb, j + 1)
        pltpu.sync_copy(buf_a, acc.at[dst_v.at[j]], add=True)
        wait_g(buf_b, sgb)
        start_g(buf_a, sga, j + 2)
        pltpu.sync_copy(buf_b, acc.at[dst_v.at[j + 1]], add=True)
        return carry

    lax.fori_loop(0, NCH // 2, body, 0)
    wait_g(buf_a, sga)
    plsc.subcore_barrier()
    pltpu.sync_copy(acc.at[pl.ds(s * RPT, RPT)],
                    out_hbm.at[pl.ds(c * NP + s * RPT, RPT)])


def _matmul1_body(x_ref, w_ref, u_ref):
    u_ref[...] = jnp.dot(x_ref[...], w_ref[...],
                         preferred_element_type=jnp.float32)


def _scale1_body(u_ref, h0_ref, h1_ref, hs_ref, dis_ref):
    deg = h0_ref[:, 0:1] + h1_ref[:, 0:1] + 1.0
    dis = lax.rsqrt(deg)
    dis_ref[...] = dis
    hs_ref[...] = u_ref[...] * dis


def _mid_body(t0_ref, t1_ref, hsp_ref, dis_ref, b_ref, w_ref, o_ref):
    dis = dis_ref[...]
    agg = dis * (t0_ref[...] + t1_ref[...] + hsp_ref[...]) + b_ref[...]
    h = jnp.maximum(agg, 0.0)
    o_ref[...] = jnp.dot(h, w_ref[...], preferred_element_type=jnp.float32) * dis


def _final_body(t0_ref, t1_ref, hs3_ref, dis_ref, b3_ref, seg_ref,
                wl1_ref, bl1_ref, wl2_ref, bl2_ref, o_ref, p_acc):
    i = pl.program_id(0)

    @pl.when(i == 0)
    def _():
        p_acc[...] = jnp.zeros_like(p_acc)

    dis = dis_ref[...]
    h3 = dis * (t0_ref[...] + t1_ref[...] + hs3_ref[...]) + b3_ref[...]
    onehot = (seg_ref[...] == lax.broadcasted_iota(jnp.int32, (TBR, G), 1)
              ).astype(jnp.float32)
    p_acc[...] += lax.dot_general(onehot, h3, (((0,), (0,)), ((), ())),
                                  preferred_element_type=jnp.float32)

    @pl.when(i == pl.num_programs(0) - 1)
    def _():
        p = p_acc[...]
        pr = jnp.maximum(
            jnp.dot(p, wl1_ref[...], preferred_element_type=jnp.float32)
            + bl1_ref[...], 0.0)
        o_ref[...] = (jnp.dot(pr, wl2_ref[...],
                              preferred_element_type=jnp.float32)
                      + bl2_ref[...])


_blk = lambda: pl.BlockSpec((TBR, C), lambda i: (i, 0))
_blk0 = lambda: pl.BlockSpec((TBR, C), lambda i: (TG + i, 0))
_dblk = lambda: pl.BlockSpec((TBR, 1), lambda i: (i, 0))


def _matmul1(xp, W1):
    return pl.pallas_call(
        _matmul1_body,
        grid=(TG,),
        in_specs=[
            pl.BlockSpec((TBR, F_IN), lambda i: (i, 0)),
            pl.BlockSpec((F_IN, C), lambda i: (0, 0)),
        ],
        out_specs=_blk(),
        out_shape=jax.ShapeDtypeStruct((NP, C), jnp.float32),
    )(xp, W1)


def _scale1(u1, hist):
    return pl.pallas_call(
        _scale1_body,
        grid=(TG,),
        in_specs=[
            _blk(),
            pl.BlockSpec((TBR, 16), lambda i: (i, 0)),
            pl.BlockSpec((TBR, 16), lambda i: (TG + i, 0)),
        ],
        out_specs=[_blk(), _dblk()],
        out_shape=[jax.ShapeDtypeStruct((NP, C), jnp.float32),
                   jax.ShapeDtypeStruct((NP, 1), jnp.float32)],
    )(u1, hist, hist)


def _mid(t, hsp, dis, bias, W):
    return pl.pallas_call(
        _mid_body,
        grid=(TG,),
        in_specs=[
            _blk(), _blk0(), _blk(), _dblk(),
            pl.BlockSpec((1, C), lambda i: (0, 0)),
            pl.BlockSpec((C, C), lambda i: (0, 0)),
        ],
        out_specs=_blk(),
        out_shape=jax.ShapeDtypeStruct((NP, C), jnp.float32),
    )(t, t, hsp, dis, bias, W)


def _final(t, hs3, dis, b3, segp, Wl1, bl1, Wl2, bl2):
    return pl.pallas_call(
        _final_body,
        grid=(TG,),
        in_specs=[
            _blk(), _blk0(), _blk(), _dblk(),
            pl.BlockSpec((1, C), lambda i: (0, 0)),
            pl.BlockSpec((TBR, 1), lambda i: (i, 0)),
            pl.BlockSpec((C, 32), lambda i: (0, 0)),
            pl.BlockSpec((1, 32), lambda i: (0, 0)),
            pl.BlockSpec((32, 1), lambda i: (0, 0)),
            pl.BlockSpec((1, 1), lambda i: (0, 0)),
        ],
        out_specs=pl.BlockSpec((G, 1), lambda i: (0, 0)),
        out_shape=jax.ShapeDtypeStruct((G, 1), jnp.float32),
        scratch_shapes=[pltpu.VMEM((G, C), jnp.float32)],
    )(t, t, hs3, dis, b3, segp, Wl1, bl1, Wl2, bl2)


def kernel(x, e, b, W1, b1, W2, b2, W3, b3, Wl1, bl1, Wl2, bl2):
    E = e.shape[1]
    xp = jnp.pad(x, ((0, NP - N), (0, 0)))
    ep = jnp.pad(e, ((0, 0), (0, E_PAD - E)), constant_values=N)
    srcp = jnp.pad(ep[0].reshape(NW, NCH, CHUNK),
                   ((0, 0), (0, NCHI - NCH), (0, 0)), constant_values=N)
    dstp = ep[1].reshape(NW, NCH, CHUNK)
    segp = jnp.pad(b, (0, NP - N), constant_values=G).reshape(NP, 1)
    ones16 = jnp.ones((CHUNK, 16), jnp.float32)
    zer16 = jnp.zeros((RPT, 16), jnp.float32)
    zer64 = jnp.zeros((RPT, C), jnp.float32)

    hist = _deg_kernel(dstp, ones16, zer16)
    u1 = _matmul1(xp, W1)
    hs1, dis = _scale1(u1, hist)
    t1 = _scatter_kernel(hs1, srcp, dstp, zer64)
    hs2 = _mid(t1, hs1, dis, b1.reshape(1, C), W2)
    t2 = _scatter_kernel(hs2, srcp, dstp, zer64)
    hs3 = _mid(t2, hs2, dis, b2.reshape(1, C), W3)
    t3 = _scatter_kernel(hs3, srcp, dstp, zer64)
    return _final(t3, hs3, dis, b3.reshape(1, C), segp,
                  Wl1, bl1.reshape(1, 32), Wl2, bl2.reshape(1, 1))

# --- scband reference (transcript-rebuilt; emitter-appended) ---
"""Pipeline reference for scband-network-33792802685826 (READ-ONLY COPY).

The authoritative reference and input builder live on the scoring server;
editing this copy changes nothing except your own understanding.
"""

import jax, jax.numpy as jnp
import numpy as np

N = 10000
E = 320000
F_IN = 128
G = 64

def _init_w(key, shape, scale=0.05):
    return jax.random.normal(key, shape, dtype=jnp.float32) * scale

def setup_inputs(seed: int = 0):
    key = jax.random.key(seed)
    ks = jax.random.split(key, 10)
    x = jax.random.normal(ks[0], (N, F_IN), dtype=jnp.float32)
    e = jax.random.randint(ks[1], (2, E), 0, N, dtype=jnp.int32)
    b = jnp.sort(jax.random.randint(ks[2], (N,), 0, G, dtype=jnp.int32))
    W1 = _init_w(ks[3], (F_IN, 64)); b1 = jnp.zeros((64,), jnp.float32)
    W2 = _init_w(ks[4], (64, 64)); b2 = jnp.zeros((64,), jnp.float32)
    W3 = _init_w(ks[5], (64, 64)); b3 = jnp.zeros((64,), jnp.float32)
    Wl1 = _init_w(ks[6], (64, 32)); bl1 = jnp.zeros((32,), jnp.float32)
    Wl2 = _init_w(ks[7], (32, 1)); bl2 = jnp.zeros((1,), jnp.float32)
    return {"x": x, "e": e, "b": b, "W1": W1, "b1": b1, "W2": W2, "b2": b2, "W3": W3, "b3": b3, "Wl1": Wl1, "bl1": bl1, "Wl2": Wl2, "bl2": bl2}

def _gcn_conv(x, src, dst, W, bias):
    n = x.shape[0]
    h = x @ W
    loop = jnp.arange(n, dtype=src.dtype)
    s = jnp.concatenate([src, loop])
    d = jnp.concatenate([dst, loop])
    deg = jnp.zeros((n,), jnp.float32).at[d].add(1.0)
    dis = jnp.where(deg > 0, 1.0 / jnp.sqrt(deg), 0.0)
    norm = dis[s] * dis[d]
    agg = jnp.zeros((n, h.shape[1]), jnp.float32).at[d].add(h[s] * norm[:, None])
    return agg + bias

def reference(x, e, b, W1, b1, W2, b2, W3, b3, Wl1, bl1, Wl2, bl2):
    src, dst = e[0], e[1]
    h = jax.nn.relu(_gcn_conv(x, src, dst, W1, b1))
    h = jax.nn.relu(_gcn_conv(h, src, dst, W2, b2))
    h = _gcn_conv(h, src, dst, W3, b3)
    p = jax.ops.segment_sum(h, b, num_segments=G)
    out = jax.nn.relu(p @ Wl1 + bl1) @ Wl2 + bl2
    return out

if __name__ == "__main__":
    import jax
    _d = setup_inputs()
    print(jax.jit(kernel)(*tuple(_d.values())))

</pallas_src>

<mosaic_0001>
#map = affine_map<(d0, d1) -> (0, 0)>
#map1 = affine_map<(d0, d1) -> (0, 0, 0)>
module attributes {stable_mosaic.version = 14 : i64} {
  func.func @_scatter_kernel(%arg0: i32, %arg1: i32, %arg2: memref<10240x64xf32, #tpu.memory_space<hbm>>, %arg3: memref<32x84x128xi32, #tpu.memory_space<hbm>>, %arg4: memref<32x80x128xi32, #tpu.memory_space<hbm>>, %arg5: memref<640x64xf32, #tpu.memory_space<hbm>>, %arg6: memref<20480x64xf32, #tpu.memory_space<hbm>>, %arg7: memref<84x128xi32, #tpu.memory_space<vmem>>, %arg8: memref<80x128xi32, #tpu.memory_space<vmem>>, %arg9: memref<128x64xf32, #tpu.memory_space<vmem>>, %arg10: memref<128x64xf32, #tpu.memory_space<vmem>>, %arg11: memref<10240x64xf32, #tpu.memory_space<vmem_shared>>, %arg12: memref<10240x64xf32, #tpu.memory_space<vmem_shared>>, %arg13: memref<!tpu.dma_semaphore, #tpu.memory_space<semaphore_mem>>, %arg14: memref<!tpu.dma_semaphore, #tpu.memory_space<semaphore_mem>>, %arg15: memref<!tpu.dma_semaphore, #tpu.memory_space<semaphore_mem>>, %arg16: memref<!tpu.dma_semaphore, #tpu.memory_space<semaphore_mem>>) attributes {dimension_semantics = [#tpu.dimension_semantics<core_parallel>, #tpu.dimension_semantics<subcore_parallel>], iteration_bounds = array<i64: 2, 16>, scalar_prefetch = 0 : i64, scratch_operands = 10 : i64, tpu.core_type = #tpu.core_type<sc_vector_subcore>, window_params = [{transform_indices = #map}, {transform_indices = #map1}, {transform_indices = #map1}, {transform_indices = #map}, {transform_indices = #map}]} {
    %mul3A = arith.constant 2 : i32
    %mul3A_0 = arith.muli %arg1, %mul3A : i32
    %add3A = arith.addi %mul3A_0, %arg0 : i32
    %dma_start3A = arith.constant 0 : i32
    %dma_start3A_1 = arith.constant 0 : i32
    %dma_start3A_2 = tpu.memref_slice %arg3[%add3A, %dma_start3A, %dma_start3A_1] : memref<32x84x128xi32, #tpu.memory_space<hbm>> -> memref<1x84x128xi32, #tpu.memory_space<hbm>>
    %dma_start3A_3 = tpu.memref_squeeze %dma_start3A_2 : memref<1x84x128xi32, #tpu.memory_space<hbm>> -> memref<84x128xi32, #tpu.memory_space<hbm>>
    %dma_start3A_4 = arith.constant 0 : i32
    %dma_start3A_5 = arith.constant 0 : i32
    %dma_start3A_6 = tpu.memref_slice %arg3[%add3A, %dma_start3A_4, %dma_start3A_5] : memref<32x84x128xi32, #tpu.memory_space<hbm>> -> memref<1x84x128xi32, #tpu.memory_space<hbm>>
    %dma_start3A_7 = tpu.memref_squeeze %dma_start3A_6 : memref<1x84x128xi32, #tpu.memory_space<hbm>> -> memref<84x128xi32, #tpu.memory_space<hbm>>
    tpu.enqueue_dma source(%dma_start3A_7 : memref<84x128xi32, #tpu.memory_space<hbm>>) target(%arg7 : memref<84x128xi32, #tpu.memory_space<vmem>>) target_semaphore(%arg13 : memref<!tpu.dma_semaphore, #tpu.memory_space<semaphore_mem>>)
    %dma_start3A_8 = arith.constant 0 : i32
    %dma_start3A_9 = arith.constant 0 : i32
    %dma_start3A_10 = tpu.memref_slice %arg4[%add3A, %dma_start3A_8, %dma_start3A_9] : memref<32x80x128xi32, #tpu.memory_space<hbm>> -> memref<1x80x128xi32, #tpu.memory_space<hbm>>
    %dma_start3A_11 = tpu.memref_squeeze %dma_start3A_10 : memref<1x80x128xi32, #tpu.memory_space<hbm>> -> memref<80x128xi32, #tpu.memory_space<hbm>>
    %dma_start3A_12 = arith.constant 0 : i32
    %dma_start3A_13 = arith.constant 0 : i32
    %dma_start3A_14 = tpu.memref_slice %arg4[%add3A, %dma_start3A_12, %dma_start3A_13] : memref<32x80x128xi32, #tpu.memory_space<hbm>> -> memref<1x80x128xi32, #tpu.memory_space<hbm>>
    %dma_start3A_15 = tpu.memref_squeeze %dma_start3A_14 : memref<1x80x128xi32, #tpu.memory_space<hbm>> -> memref<80x128xi32, #tpu.memory_space<hbm>>
    tpu.enqueue_dma source(%dma_start3A_15 : memref<80x128xi32, #tpu.memory_space<hbm>>) target(%arg8 : memref<80x128xi32, #tpu.memory_space<vmem>>) target_semaphore(%arg14 : memref<!tpu.dma_semaphore, #tpu.memory_space<semaphore_mem>>)
    %mul3A_16 = arith.constant 640 : i32
    %mul3A_17 = arith.muli %arg1, %mul3A_16 : i32
    %mul3A_18 = arith.constant 640 : i32
    %mul3A_19 = arith.muli %arg1, %mul3A_18 : i32
    %dma_start3A_20 = arith.constant 0 : i32
    %dma_start3A_21 = tpu.memref_slice %arg11[%mul3A_19, %dma_start3A_20] : memref<10240x64xf32, #tpu.memory_space<vmem_shared>> -> memref<640x64xf32, #tpu.memory_space<vmem_shared>>
    %dma_start3A_22 = arith.constant 0 : i32
    %dma_start3A_23 = tpu.memref_slice %arg2[%mul3A_17, %dma_start3A_22] : memref<10240x64xf32, #tpu.memory_space<hbm>> -> memref<640x64xf32, #tpu.memory_space<hbm>>
    tpu.enqueue_dma source(%dma_start3A_23 : memref<640x64xf32, #tpu.memory_space<hbm>>) target(%dma_start3A_21 : memref<640x64xf32, #tpu.memory_space<vmem_shared>>) target_semaphore(%arg15 : memref<!tpu.dma_semaphore, #tpu.memory_space<semaphore_mem>>)
    %mul3A_24 = arith.constant 640 : i32
    %mul3A_25 = arith.muli %arg1, %mul3A_24 : i32
    %dma_start3A_26 = arith.constant 0 : i32
    %dma_start3A_27 = tpu.memref_slice %arg12[%mul3A_25, %dma_start3A_26] : memref<10240x64xf32, #tpu.memory_space<vmem_shared>> -> memref<640x64xf32, #tpu.memory_space<vmem_shared>>
    tpu.enqueue_dma source(%arg5 : memref<640x64xf32, #tpu.memory_space<hbm>>) target(%dma_start3A_27 : memref<640x64xf32, #tpu.memory_space<vmem_shared>>) target_semaphore(%arg16 : memref<!tpu.dma_semaphore, #tpu.memory_space<semaphore_mem>>)
    %dma_wait3A = arith.constant 0 : i32
    %dma_wait3A_28 = arith.constant 0 : i32
    %dma_wait3A_29 = tpu.memref_slice %arg3[%add3A, %dma_wait3A, %dma_wait3A_28] : memref<32x84x128xi32, #tpu.memory_space<hbm>> -> memref<1x84x128xi32, #tpu.memory_space<hbm>>
    %dma_wait3A_30 = tpu.memref_squeeze %dma_wait3A_29 : memref<1x84x128xi32, #tpu.memory_space<hbm>> -> memref<84x128xi32, #tpu.memory_space<hbm>>
    %dma_wait3A_31 = arith.constant 0 : i32
    %dma_wait3A_32 = arith.constant 0 : i32
    %dma_wait3A_33 = tpu.memref_slice %arg3[%add3A, %dma_wait3A_31, %dma_wait3A_32] : memref<32x84x128xi32, #tpu.memory_space<hbm>> -> memref<1x84x128xi32, #tpu.memory_space<hbm>>
    %dma_wait3A_34 = tpu.memref_squeeze %dma_wait3A_33 : memref<1x84x128xi32, #tpu.memory_space<hbm>> -> memref<84x128xi32, #tpu.memory_space<hbm>>
    tpu.wait_dma2 semaphore(%arg13 : memref<!tpu.dma_semaphore, #tpu.memory_space<semaphore_mem>>) src(%dma_wait3A_34 : memref<84x128xi32, #tpu.memory_space<hbm>>) dst(%arg7 : memref<84x128xi32, #tpu.memory_space<vmem>>)
    %dma_wait3A_35 = arith.constant 0 : i32
    %dma_wait3A_36 = arith.constant 0 : i32
    %dma_wait3A_37 = tpu.memref_slice %arg4[%add3A, %dma_wait3A_35, %dma_wait3A_36] : memref<32x80x128xi32, #tpu.memory_space<hbm>> -> memref<1x80x128xi32, #tpu.memory_space<hbm>>
    %dma_wait3A_38 = tpu.memref_squeeze %dma_wait3A_37 : memref<1x80x128xi32, #tpu.memory_space<hbm>> -> memref<80x128xi32, #tpu.memory_space<hbm>>
    %dma_wait3A_39 = arith.constant 0 : i32
    %dma_wait3A_40 = arith.constant 0 : i32
    %dma_wait3A_41 = tpu.memref_slice %arg4[%add3A, %dma_wait3A_39, %dma_wait3A_40] : memref<32x80x128xi32, #tpu.memory_space<hbm>> -> memref<1x80x128xi32, #tpu.memory_space<hbm>>
    %dma_wait3A_42 = tpu.memref_squeeze %dma_wait3A_41 : memref<1x80x128xi32, #tpu.memory_space<hbm>> -> memref<80x128xi32, #tpu.memory_space<hbm>>
    tpu.wait_dma2 semaphore(%arg14 : memref<!tpu.dma_semaphore, #tpu.memory_space<semaphore_mem>>) src(%dma_wait3A_42 : memref<80x128xi32, #tpu.memory_space<hbm>>) dst(%arg8 : memref<80x128xi32, #tpu.memory_space<vmem>>)
    %mul3A_43 = arith.constant 640 : i32
    %mul3A_44 = arith.muli %arg1, %mul3A_43 : i32
    %mul3A_45 = arith.constant 640 : i32
    %mul3A_46 = arith.muli %arg1, %mul3A_45 : i32
    %dma_wait3A_47 = arith.constant 0 : i32
    %dma_wait3A_48 = tpu.memref_slice %arg11[%mul3A_46, %dma_wait3A_47] : memref<10240x64xf32, #tpu.memory_space<vmem_shared>> -> memref<640x64xf32, #tpu.memory_space<vmem_shared>>
    %dma_wait3A_49 = arith.constant 0 : i32
    %dma_wait3A_50 = tpu.memref_slice %arg2[%mul3A_44, %dma_wait3A_49] : memref<10240x64xf32, #tpu.memory_space<hbm>> -> memref<640x64xf32, #tpu.memory_space<hbm>>
    tpu.wait_dma2 semaphore(%arg15 : memref<!tpu.dma_semaphore, #tpu.memory_space<semaphore_mem>>) src(%dma_wait3A_50 : memref<640x64xf32, #tpu.memory_space<hbm>>) dst(%dma_wait3A_48 : memref<640x64xf32, #tpu.memory_space<vmem_shared>>)
    %mul3A_51 = arith.constant 640 : i32
    %mul3A_52 = arith.muli %arg1, %mul3A_51 : i32
    %dma_wait3A_53 = arith.constant 0 : i32
    %dma_wait3A_54 = tpu.memref_slice %arg12[%mul3A_52, %dma_wait3A_53] : memref<10240x64xf32, #tpu.memory_space<vmem_shared>> -> memref<640x64xf32, #tpu.memory_space<vmem_shared>>
    tpu.wait_dma2 semaphore(%arg16 : memref<!tpu.dma_semaphore, #tpu.memory_space<semaphore_mem>>) src(%arg5 : memref<640x64xf32, #tpu.memory_space<hbm>>) dst(%dma_wait3A_54 : memref<640x64xf32, #tpu.memory_space<vmem_shared>>)
    %barrier3A = arith.constant 0 : index
    tpu.barrier barrier_id(%barrier3A)
    %dma_start3A_55 = arith.constant 0 : i32
    %dma_start3A_56 = arith.constant 0 : i32
    %dma_start3A_57 = tpu.memref_slice %arg7[%dma_start3A_55, %dma_start3A_56] : memref<84x128xi32, #tpu.memory_space<vmem>> -> memref<1x128xi32, #tpu.memory_space<vmem>>
    %dma_start3A_58 = tpu.memref_squeeze %dma_start3A_57 : memref<1x128xi32, #tpu.memory_space<vmem>> -> memref<128xi32, #tpu.memory_space<vmem>>
    %dma_start3A_59 = arith.constant 0 : i32
    %dma_start3A_60 = arith.constant 0 : i32
    %dma_start3A_61 = tpu.memref_slice %arg11[%dma_start3A_59, %dma_start3A_60] : memref<10240x64xf32, #tpu.memory_space<vmem_shared>> -> memref<10240x64xf32, #tpu.memory_space<vmem_shared>>
    tpu.enqueue_indirect_dma source(%dma_start3A_61 : memref<10240x64xf32, #tpu.memory_space<vmem_shared>>) target(%arg9 : memref<128x64xf32, #tpu.memory_space<vmem>>) offsets(%dma_start3A_58 : memref<128xi32, #tpu.memory_space<vmem>>) semaphore(%arg13 : memref<!tpu.dma_semaphore, #tpu.memory_space<semaphore_mem>>)
    %scan3A = arith.constant 0 : i32
    %scan3A_62 = arith.constant 0 : i32
    %scan3A_63 = arith.constant 40 : i32
    %scan3A_64 = arith.addi %scan3A_62, %scan3A_63 : i32
    %scan3A_65 = arith.constant 1 : i32
    scf.for %scan3A_82 = %scan3A_62 to %scan3A_64 step %scan3A_65  : i32 {
      %mul3A_83 = arith.constant 2 : i32
      %mul3A_84 = arith.muli %mul3A_83, %scan3A_82 : i32
      %dma_wait3A_85 = arith.constant 0 : i32
      %dma_wait3A_86 = arith.constant 0 : i32
      %dma_wait3A_87 = tpu.memref_slice %arg7[%dma_wait3A_85, %dma_wait3A_86] : memref<84x128xi32, #tpu.memory_space<vmem>> -> memref<1x128xi32, #tpu.memory_space<vmem>>
      %dma_wait3A_88 = tpu.memref_squeeze %dma_wait3A_87 : memref<1x128xi32, #tpu.memory_space<vmem>> -> memref<128xi32, #tpu.memory_space<vmem>>
      %dma_wait3A_89 = arith.constant 0 : i32
      %dma_wait3A_90 = arith.constant 0 : i32
      %dma_wait3A_91 = tpu.memref_slice %arg11[%dma_wait3A_89, %dma_wait3A_90] : memref<10240x64xf32, #tpu.memory_space<vmem_shared>> -> memref<10240x64xf32, #tpu.memory_space<vmem_shared>>
      tpu.wait_indirect_dma semaphore(%arg13 : memref<!tpu.dma_semaphore, #tpu.memory_space<semaphore_mem>>) src(%dma_wait3A_91 : memref<10240x64xf32, #tpu.memory_space<vmem_shared>>) dst(%arg9 : memref<128x64xf32, #tpu.memory_space<vmem>>)
      %add3A_92 = arith.constant 1 : i32
      %add3A_93 = arith.addi %mul3A_84, %add3A_92 : i32
      %dma_start3A_94 = arith.constant 0 : i32
      %dma_start3A_95 = tpu.memref_slice %arg7[%add3A_93, %dma_start3A_94] : memref<84x128xi32, #tpu.memory_space<vmem>> -> memref<1x128xi32, #tpu.memory_space<vmem>>
      %dma_start3A_96 = tpu.memref_squeeze %dma_start3A_95 : memref<1x128xi32, #tpu.memory_space<vmem>> -> memref<128xi32, #tpu.memory_space<vmem>>
      %dma_start3A_97 = arith.constant 0 : i32
      %dma_start3A_98 = arith.constant 0 : i32
      %dma_start3A_99 = tpu.memref_slice %arg11[%dma_start3A_97, %dma_start3A_98] : memref<10240x64xf32, #tpu.memory_space<vmem_shared>> -> memref<10240x64xf32, #tpu.memory_space<vmem_shared>>
      tpu.enqueue_indirect_dma source(%dma_start3A_99 : memref<10240x64xf32, #tpu.memory_space<vmem_shared>>) target(%arg10 : memref<128x64xf32, #tpu.memory_space<vmem>>) offsets(%dma_start3A_96 : memref<128xi32, #tpu.memory_space<vmem>>) semaphore(%arg14 : memref<!tpu.dma_semaphore, #tpu.memory_space<semaphore_mem>>)
      "tpu.region"() ({
        %run_scoped3A = tpu.sem_alloc : memref<!tpu.dma_semaphore, #tpu.memory_space<semaphore_mem>>
        %dma_start3A_117 = arith.constant 0 : i32
        %dma_start3A_118 = tpu.memref_slice %arg8[%mul3A_84, %dma_start3A_117] : memref<80x128xi32, #tpu.memory_space<vmem>> -> memref<1x128xi32, #tpu.memory_space<vmem>>
        %dma_start3A_119 = tpu.memref_squeeze %dma_start3A_118 : memref<1x128xi32, #tpu.memory_space<vmem>> -> memref<128xi32, #tpu.memory_space<vmem>>
        %dma_start3A_120 = arith.constant 0 : i32
        %dma_start3A_121 = arith.constant 0 : i32
        %dma_start3A_122 = tpu.memref_slice %arg12[%dma_start3A_120, %dma_start3A_121] : memref<10240x64xf32, #tpu.memory_space<vmem_shared>> -> memref<10240x64xf32, #tpu.memory_space<vmem_shared>>
        tpu.enqueue_indirect_dma source(%arg9 : memref<128x64xf32, #tpu.memory_space<vmem>>) target(%dma_start3A_122 : memref<10240x64xf32, #tpu.memory_space<vmem_shared>>) offsets(%dma_start3A_119 : memref<128xi32, #tpu.memory_space<vmem>>) semaphore(%run_scoped3A : memref<!tpu.dma_semaphore, #tpu.memory_space<semaphore_mem>>) {add = true}
        %dma_wait3A_123 = arith.constant 0 : i32
        %dma_wait3A_124 = tpu.memref_slice %arg8[%mul3A_84, %dma_wait3A_123] : memref<80x128xi32, #tpu.memory_space<vmem>> -> memref<1x128xi32, #tpu.memory_space<vmem>>
        %dma_wait3A_125 = tpu.memref_squeeze %dma_wait3A_124 : memref<1x128xi32, #tpu.memory_space<vmem>> -> memref<128xi32, #tpu.memory_space<vmem>>
        %dma_wait3A_126 = arith.constant 0 : i32
        %dma_wait3A_127 = arith.constant 0 : i32
        %dma_wait3A_128 = tpu.memref_slice %arg12[%dma_wait3A_126, %dma_wait3A_127] : memref<10240x64xf32, #tpu.memory_space<vmem_shared>> -> memref<10240x64xf32, #tpu.memory_space<vmem_shared>>
        tpu.wait_indirect_dma semaphore(%run_scoped3A : memref<!tpu.dma_semaphore, #tpu.memory_space<semaphore_mem>>) src(%arg9 : memref<128x64xf32, #tpu.memory_space<vmem>>) dst(%dma_wait3A_128 : memref<10240x64xf32, #tpu.memory_space<vmem_shared>>)
        tpu.yield
      }) : () -> ()
      %dma_wait3A_100 = arith.constant 0 : i32
      %dma_wait3A_101 = arith.constant 0 : i32
      %dma_wait3A_102 = tpu.memref_slice %arg7[%dma_wait3A_100, %dma_wait3A_101] : memref<84x128xi32, #tpu.memory_space<vmem>> -> memref<1x128xi32, #tpu.memory_space<vmem>>
      %dma_wait3A_103 = tpu.memref_squeeze %dma_wait3A_102 : memref<1x128xi32, #tpu.memory_space<vmem>> -> memref<128xi32, #tpu.memory_space<vmem>>
      %dma_wait3A_104 = arith.constant 0 : i32
      %dma_wait3A_105 = arith.constant 0 : i32
      %dma_wait3A_106 = tpu.memref_slice %arg11[%dma_wait3A_104, %dma_wait3A_105] : memref<10240x64xf32, #tpu.memory_space<vmem_shared>> -> memref<10240x64xf32, #tpu.memory_space<vmem_shared>>
      tpu.wait_indirect_dma semaphore(%arg14 : memref<!tpu.dma_semaphore, #tpu.memory_space<semaphore_mem>>) src(%dma_wait3A_106 : memref<10240x64xf32, #tpu.memory_space<vmem_shared>>) dst(%arg10 : memref<128x64xf32, #tpu.memory_space<vmem>>)
      %add3A_107 = arith.constant 2 : i32
      %add3A_108 = arith.addi %mul3A_84, %add3A_107 : i32
      %dma_start3A_109 = arith.constant 0 : i32
      %dma_start3A_110 = tpu.memref_slice %arg7[%add3A_108, %dma_start3A_109] : memref<84x128xi32, #tpu.memory_space<vmem>> -> memref<1x128xi32, #tpu.memory_space<vmem>>
      %dma_start3A_111 = tpu.memref_squeeze %dma_start3A_110 : memref<1x128xi32, #tpu.memory_space<vmem>> -> memref<128xi32, #tpu.memory_space<vmem>>
      %dma_start3A_112 = arith.constant 0 : i32
      %dma_start3A_113 = arith.constant 0 : i32
      %dma_start3A_114 = tpu.memref_slice %arg11[%dma_start3A_112, %dma_start3A_113] : memref<10240x64xf32, #tpu.memory_space<vmem_shared>> -> memref<10240x64xf32, #tpu.memory_space<vmem_shared>>
      tpu.enqueue_indirect_dma source(%dma_start3A_114 : memref<10240x64xf32, #tpu.memory_space<vmem_shared>>) target(%arg9 : memref<128x64xf32, #tpu.memory_space<vmem>>) offsets(%dma_start3A_111 : memref<128xi32, #tpu.memory_space<vmem>>) semaphore(%arg13 : memref<!tpu.dma_semaphore, #tpu.memory_space<semaphore_mem>>)
      %add3A_115 = arith.constant 1 : i32
      %add3A_116 = arith.addi %mul3A_84, %add3A_115 : i32
      "tpu.region"() ({
        %run_scoped3A = tpu.sem_alloc : memref<!tpu.dma_semaphore, #tpu.memory_space<semaphore_mem>>
        %dma_start3A_117 = arith.constant 0 : i32
        %dma_start3A_118 = tpu.memref_slice %arg8[%add3A_116, %dma_start3A_117] : memref<80x128xi32, #tpu.memory_space<vmem>> -> memref<1x128xi32, #tpu.memory_space<vmem>>
        %dma_start3A_119 = tpu.memref_squeeze %dma_start3A_118 : memref<1x128xi32, #tpu.memory_space<vmem>> -> memref<128xi32, #tpu.memory_space<vmem>>
        %dma_start3A_120 = arith.constant 0 : i32
        %dma_start3A_121 = arith.constant 0 : i32
        %dma_start3A_122 = tpu.memref_slice %arg12[%dma_start3A_120, %dma_start3A_121] : memref<10240x64xf32, #tpu.memory_space<vmem_shared>> -> memref<10240x64xf32, #tpu.memory_space<vmem_shared>>
        tpu.enqueue_indirect_dma source(%arg10 : memref<128x64xf32, #tpu.memory_space<vmem>>) target(%dma_start3A_122 : memref<10240x64xf32, #tpu.memory_space<vmem_shared>>) offsets(%dma_start3A_119 : memref<128xi32, #tpu.memory_space<vmem>>) semaphore(%run_scoped3A : memref<!tpu.dma_semaphore, #tpu.memory_space<semaphore_mem>>) {add = true}
        %dma_wait3A_123 = arith.constant 0 : i32
        %dma_wait3A_124 = tpu.memref_slice %arg8[%add3A_116, %dma_wait3A_123] : memref<80x128xi32, #tpu.memory_space<vmem>> -> memref<1x128xi32, #tpu.memory_space<vmem>>
        %dma_wait3A_125 = tpu.memref_squeeze %dma_wait3A_124 : memref<1x128xi32, #tpu.memory_space<vmem>> -> memref<128xi32, #tpu.memory_space<vmem>>
        %dma_wait3A_126 = arith.constant 0 : i32
        %dma_wait3A_127 = arith.constant 0 : i32
        %dma_wait3A_128 = tpu.memref_slice %arg12[%dma_wait3A_126, %dma_wait3A_127] : memref<10240x64xf32, #tpu.memory_space<vmem_shared>> -> memref<10240x64xf32, #tpu.memory_space<vmem_shared>>
        tpu.wait_indirect_dma semaphore(%run_scoped3A : memref<!tpu.dma_semaphore, #tpu.memory_space<semaphore_mem>>) src(%arg10 : memref<128x64xf32, #tpu.memory_space<vmem>>) dst(%dma_wait3A_128 : memref<10240x64xf32, #tpu.memory_space<vmem_shared>>)
        tpu.yield
      }) : () -> ()
    }
    %scan3A_66 = arith.constant 40 : i32
    %dma_wait3A_67 = arith.constant 0 : i32
    %dma_wait3A_68 = arith.constant 0 : i32
    %dma_wait3A_69 = tpu.memref_slice %arg7[%dma_wait3A_67, %dma_wait3A_68] : memref<84x128xi32, #tpu.memory_space<vmem>> -> memref<1x128xi32, #tpu.memory_space<vmem>>
    %dma_wait3A_70 = tpu.memref_squeeze %dma_wait3A_69 : memref<1x128xi32, #tpu.memory_space<vmem>> -> memref<128xi32, #tpu.memory_space<vmem>>
    %dma_wait3A_71 = arith.constant 0 : i32
    %dma_wait3A_72 = arith.constant 0 : i32
    %dma_wait3A_73 = tpu.memref_slice %arg11[%dma_wait3A_71, %dma_wait3A_72] : memref<10240x64xf32, #tpu.memory_space<vmem_shared>> -> memref<10240x64xf32, #tpu.memory_space<vmem_shared>>
    tpu.wait_indirect_dma semaphore(%arg13 : memref<!tpu.dma_semaphore, #tpu.memory_space<semaphore_mem>>) src(%dma_wait3A_73 : memref<10240x64xf32, #tpu.memory_space<vmem_shared>>) dst(%arg9 : memref<128x64xf32, #tpu.memory_space<vmem>>)
    %barrier3A_74 = arith.constant 0 : index
    tpu.barrier barrier_id(%barrier3A_74)
    %mul3A_75 = arith.constant 640 : i32
    %mul3A_76 = arith.muli %arg1, %mul3A_75 : i32
    %mul3A_77 = arith.constant 10240 : i32
    %mul3A_78 = arith.muli %arg0, %mul3A_77 : i32
    %mul3A_79 = arith.constant 640 : i32
    %mul3A_80 = arith.muli %arg1, %mul3A_79 : i32
    %add3A_81 = arith.addi %mul3A_78, %mul3A_80 : i32
    "tpu.region"() ({
      %run_scoped3A = tpu.sem_alloc : memref<!tpu.dma_semaphore, #tpu.memory_space<semaphore_mem>>
      %dma_start3A_82 = arith.constant 0 : i32
      %dma_start3A_83 = tpu.memref_slice %arg6[%add3A_81, %dma_start3A_82] : memref<20480x64xf32, #tpu.memory_space<hbm>> -> memref<640x64xf32, #tpu.memory_space<hbm>>
      %dma_start3A_84 = arith.constant 0 : i32
      %dma_start3A_85 = tpu.memref_slice %arg12[%mul3A_76, %dma_start3A_84] : memref<10240x64xf32, #tpu.memory_space<vmem_shared>> -> memref<640x64xf32, #tpu.memory_space<vmem_shared>>
      tpu.enqueue_dma source(%dma_start3A_85 : memref<640x64xf32, #tpu.memory_space<vmem_shared>>) target(%dma_start3A_83 : memref<640x64xf32, #tpu.memory_space<hbm>>) target_semaphore(%run_scoped3A : memref<!tpu.dma_semaphore, #tpu.memory_space<semaphore_mem>>)
      %dma_wait3A_86 = arith.constant 0 : i32
      %dma_wait3A_87 = tpu.memref_slice %arg6[%add3A_81, %dma_wait3A_86] : memref<20480x64xf32, #tpu.memory_space<hbm>> -> memref<640x64xf32, #tpu.memory_space<hbm>>
      %dma_wait3A_88 = arith.constant 0 : i32
      %dma_wait3A_89 = tpu.memref_slice %arg12[%mul3A_76, %dma_wait3A_88] : memref<10240x64xf32, #tpu.memory_space<vmem_shared>> -> memref<640x64xf32, #tpu.memory_space<vmem_shared>>
      tpu.wait_dma2 semaphore(%run_scoped3A : memref<!tpu.dma_semaphore, #tpu.memory_space<semaphore_mem>>) src(%dma_wait3A_89 : memref<640x64xf32, #tpu.memory_space<vmem_shared>>) dst(%dma_wait3A_87 : memref<640x64xf32, #tpu.memory_space<hbm>>)
      tpu.yield
    }) : () -> ()
    return
  }
}

#map = affine_map<(d0, d1) -> (0, 0, 0)>
#map1 = affine_map<(d0, d1) -> (0, 0)>
module attributes {stable_mosaic.version = 14 : i64} {
  func.func @_deg_kernel(%arg0: i32, %arg1: i32, %arg2: memref<32x80x128xi32, #tpu.memory_space<hbm>>, %arg3: memref<128x16xf32, #tpu.memory_space<hbm>>, %arg4: memref<640x16xf32, #tpu.memory_space<hbm>>, %arg5: memref<20480x16xf32, #tpu.memory_space<hbm>>, %arg6: memref<80x128xi32, #tpu.memory_space<vmem>>, %arg7: memref<128x16xf32, #tpu.memory_space<vmem>>, %arg8: memref<10240x16xf32, #tpu.memory_space<vmem_shared>>, %arg9: memref<!tpu.dma_semaphore, #tpu.memory_space<semaphore_mem>>, %arg10: memref<!tpu.dma_semaphore, #tpu.memory_space<semaphore_mem>>) attributes {dimension_semantics = [#tpu.dimension_semantics<core_parallel>, #tpu.dimension_semantics<subcore_parallel>], iteration_bounds = array<i64: 2, 16>, scalar_prefetch = 0 : i64, scratch_operands = 5 : i64, tpu.core_type = #tpu.core_type<sc_vector_subcore>, window_params = [{transform_indices = #map}, {transform_indices = #map1}, {transform_indices = #map1}, {transform_indices = #map1}]} {
    %mul3A = arith.constant 2 : i32
    %mul3A_0 = arith.muli %arg1, %mul3A : i32
    %add3A = arith.addi %mul3A_0, %arg0 : i32
    "tpu.region"() ({
      %run_scoped3A = tpu.sem_alloc : memref<!tpu.dma_semaphore, #tpu.memory_space<semaphore_mem>>
      %dma_start3A_42 = arith.constant 0 : i32
      %dma_start3A_43 = arith.constant 0 : i32
      %dma_start3A_44 = tpu.memref_slice %arg2[%add3A, %dma_start3A_42, %dma_start3A_43] : memref<32x80x128xi32, #tpu.memory_space<hbm>> -> memref<1x80x128xi32, #tpu.memory_space<hbm>>
      %dma_start3A_45 = tpu.memref_squeeze %dma_start3A_44 : memref<1x80x128xi32, #tpu.memory_space<hbm>> -> memref<80x128xi32, #tpu.memory_space<hbm>>
      %dma_start3A_46 = arith.constant 0 : i32
      %dma_start3A_47 = arith.constant 0 : i32
      %dma_start3A_48 = tpu.memref_slice %arg2[%add3A, %dma_start3A_46, %dma_start3A_47] : memref<32x80x128xi32, #tpu.memory_space<hbm>> -> memref<1x80x128xi32, #tpu.memory_space<hbm>>
      %dma_start3A_49 = tpu.memref_squeeze %dma_start3A_48 : memref<1x80x128xi32, #tpu.memory_space<hbm>> -> memref<80x128xi32, #tpu.memory_space<hbm>>
      tpu.enqueue_dma source(%dma_start3A_49 : memref<80x128xi32, #tpu.memory_space<hbm>>) target(%arg6 : memref<80x128xi32, #tpu.memory_space<vmem>>) target_semaphore(%run_scoped3A : memref<!tpu.dma_semaphore, #tpu.memory_space<semaphore_mem>>)
      %dma_wait3A_50 = arith.constant 0 : i32
      %dma_wait3A_51 = arith.constant 0 : i32
      %dma_wait3A_52 = tpu.memref_slice %arg2[%add3A, %dma_wait3A_50, %dma_wait3A_51] : memref<32x80x128xi32, #tpu.memory_space<hbm>> -> memref<1x80x128xi32, #tpu.memory_space<hbm>>
      %dma_wait3A_53 = tpu.memref_squeeze %dma_wait3A_52 : memref<1x80x128xi32, #tpu.memory_space<hbm>> -> memref<80x128xi32, #tpu.memory_space<hbm>>
      %dma_wait3A_54 = arith.constant 0 : i32
      %dma_wait3A_55 = arith.constant 0 : i32
      %dma_wait3A_56 = tpu.memref_slice %arg2[%add3A, %dma_wait3A_54, %dma_wait3A_55] : memref<32x80x128xi32, #tpu.memory_space<hbm>> -> memref<1x80x128xi32, #tpu.memory_space<hbm>>
      %dma_wait3A_57 = tpu.memref_squeeze %dma_wait3A_56 : memref<1x80x128xi32, #tpu.memory_space<hbm>> -> memref<80x128xi32, #tpu.memory_space<hbm>>
      tpu.wait_dma2 semaphore(%run_scoped3A : memref<!tpu.dma_semaphore, #tpu.memory_space<semaphore_mem>>) src(%dma_wait3A_57 : memref<80x128xi32, #tpu.memory_space<hbm>>) dst(%arg6 : memref<80x128xi32, #tpu.memory_space<vmem>>)
      tpu.yield
    }) : () -> ()
    "tpu.region"() ({
      %run_scoped3A = tpu.sem_alloc : memref<!tpu.dma_semaphore, #tpu.memory_space<semaphore_mem>>
      tpu.enqueue_dma source(%arg3 : memref<128x16xf32, #tpu.memory_space<hbm>>) target(%arg7 : memref<128x16xf32, #tpu.memory_space<vmem>>) target_semaphore(%run_scoped3A : memref<!tpu.dma_semaphore, #tpu.memory_space<semaphore_mem>>)
      tpu.wait_dma2 semaphore(%run_scoped3A : memref<!tpu.dma_semaphore, #tpu.memory_space<semaphore_mem>>) src(%arg3 : memref<128x16xf32, #tpu.memory_space<hbm>>) dst(%arg7 : memref<128x16xf32, #tpu.memory_space<vmem>>)
      tpu.yield
    }) : () -> ()
    %mul3A_1 = arith.constant 640 : i32
    %mul3A_2 = arith.muli %arg1, %mul3A_1 : i32
    "tpu.region"() ({
      %run_scoped3A = tpu.sem_alloc : memref<!tpu.dma_semaphore, #tpu.memory_space<semaphore_mem>>
      %dma_start3A_42 = arith.constant 0 : i32
      %dma_start3A_43 = tpu.memref_slice %arg8[%mul3A_2, %dma_start3A_42] : memref<10240x16xf32, #tpu.memory_space<vmem_shared>> -> memref<640x16xf32, #tpu.memory_space<vmem_shared>>
      tpu.enqueue_dma source(%arg4 : memref<640x16xf32, #tpu.memory_space<hbm>>) target(%dma_start3A_43 : memref<640x16xf32, #tpu.memory_space<vmem_shared>>) target_semaphore(%run_scoped3A : memref<!tpu.dma_semaphore, #tpu.memory_space<semaphore_mem>>)
      %dma_wait3A_44 = arith.constant 0 : i32
      %dma_wait3A_45 = tpu.memref_slice %arg8[%mul3A_2, %dma_wait3A_44] : memref<10240x16xf32, #tpu.memory_space<vmem_shared>> -> memref<640x16xf32, #tpu.memory_space<vmem_shared>>
      tpu.wait_dma2 semaphore(%run_scoped3A : memref<!tpu.dma_semaphore, #tpu.memory_space<semaphore_mem>>) src(%arg4 : memref<640x16xf32, #tpu.memory_space<hbm>>) dst(%dma_wait3A_45 : memref<640x16xf32, #tpu.memory_space<vmem_shared>>)
      tpu.yield
    }) : () -> ()
    %barrier3A = arith.constant 0 : index
    tpu.barrier barrier_id(%barrier3A)
    %dma_start3A = arith.constant 0 : i32
    %dma_start3A_3 = arith.constant 0 : i32
    %dma_start3A_4 = tpu.memref_slice %arg6[%dma_start3A, %dma_start3A_3] : memref<80x128xi32, #tpu.memory_space<vmem>> -> memref<1x128xi32, #tpu.memory_space<vmem>>
    %dma_start3A_5 = tpu.memref_squeeze %dma_start3A_4 : memref<1x128xi32, #tpu.memory_space<vmem>> -> memref<128xi32, #tpu.memory_space<vmem>>
    %dma_start3A_6 = arith.constant 0 : i32
    %dma_start3A_7 = arith.constant 0 : i32
    %dma_start3A_8 = tpu.memref_slice %arg8[%dma_start3A_6, %dma_start3A_7] : memref<10240x16xf32, #tpu.memory_space<vmem_shared>> -> memref<10240x16xf32, #tpu.memory_space<vmem_shared>>
    tpu.enqueue_indirect_dma source(%arg7 : memref<128x16xf32, #tpu.memory_space<vmem>>) target(%dma_start3A_8 : memref<10240x16xf32, #tpu.memory_space<vmem_shared>>) offsets(%dma_start3A_5 : memref<128xi32, #tpu.memory_space<vmem>>) semaphore(%arg9 : memref<!tpu.dma_semaphore, #tpu.memory_space<semaphore_mem>>) {add = true}
    %scan3A = arith.constant 0 : i32
    %scan3A_9 = arith.constant 0 : i32
    %scan3A_10 = arith.constant 39 : i32
    %scan3A_11 = arith.addi %scan3A_9, %scan3A_10 : i32
    %scan3A_12 = arith.constant 1 : i32
    scf.for %scan3A_42 = %scan3A_9 to %scan3A_11 step %scan3A_12  : i32 {
      %mul3A_43 = arith.constant 2 : i32
      %mul3A_44 = arith.muli %mul3A_43, %scan3A_42 : i32
      %add3A_45 = arith.constant 1 : i32
      %add3A_46 = arith.addi %mul3A_44, %add3A_45 : i32
      %dma_start3A_47 = arith.constant 0 : i32
      %dma_start3A_48 = tpu.memref_slice %arg6[%add3A_46, %dma_start3A_47] : memref<80x128xi32, #tpu.memory_space<vmem>> -> memref<1x128xi32, #tpu.memory_space<vmem>>
      %dma_start3A_49 = tpu.memref_squeeze %dma_start3A_48 : memref<1x128xi32, #tpu.memory_space<vmem>> -> memref<128xi32, #tpu.memory_space<vmem>>
      %dma_start3A_50 = arith.constant 0 : i32
      %dma_start3A_51 = arith.constant 0 : i32
      %dma_start3A_52 = tpu.memref_slice %arg8[%dma_start3A_50, %dma_start3A_51] : memref<10240x16xf32, #tpu.memory_space<vmem_shared>> -> memref<10240x16xf32, #tpu.memory_space<vmem_shared>>
      tpu.enqueue_indirect_dma source(%arg7 : memref<128x16xf32, #tpu.memory_space<vmem>>) target(%dma_start3A_52 : memref<10240x16xf32, #tpu.memory_space<vmem_shared>>) offsets(%dma_start3A_49 : memref<128xi32, #tpu.memory_space<vmem>>) semaphore(%arg10 : memref<!tpu.dma_semaphore, #tpu.memory_space<semaphore_mem>>) {add = true}
      %dma_wait3A_53 = arith.constant 0 : i32
      %dma_wait3A_54 = arith.constant 0 : i32
      %dma_wait3A_55 = tpu.memref_slice %arg6[%dma_wait3A_53, %dma_wait3A_54] : memref<80x128xi32, #tpu.memory_space<vmem>> -> memref<1x128xi32, #tpu.memory_space<vmem>>
      %dma_wait3A_56 = tpu.memref_squeeze %dma_wait3A_55 : memref<1x128xi32, #tpu.memory_space<vmem>> -> memref<128xi32, #tpu.memory_space<vmem>>
      %dma_wait3A_57 = arith.constant 0 : i32
      %dma_wait3A_58 = arith.constant 0 : i32
      %dma_wait3A_59 = tpu.memref_slice %arg8[%dma_wait3A_57, %dma_wait3A_58] : memref<10240x16xf32, #tpu.memory_space<vmem_shared>> -> memref<10240x16xf32, #tpu.memory_space<vmem_shared>>
      tpu.wait_indirect_dma semaphore(%arg9 : memref<!tpu.dma_semaphore, #tpu.memory_space<semaphore_mem>>) src(%arg7 : memref<128x16xf32, #tpu.memory_space<vmem>>) dst(%dma_wait3A_59 : memref<10240x16xf32, #tpu.memory_space<vmem_shared>>)
      %add3A_60 = arith.constant 2 : i32
      %add3A_61 = arith.addi %mul3A_44, %add3A_60 : i32
      %dma_start3A_62 = arith.constant 0 : i32
      %dma_start3A_63 = tpu.memref_slice %arg6[%add3A_61, %dma_start3A_62] : memref<80x128xi32, #tpu.memory_space<vmem>> -> memref<1x128xi32, #tpu.memory_space<vmem>>
      %dma_start3A_64 = tpu.memref_squeeze %dma_start3A_63 : memref<1x128xi32, #tpu.memory_space<vmem>> -> memref<128xi32, #tpu.memory_space<vmem>>
      %dma_start3A_65 = arith.constant 0 : i32
      %dma_start3A_66 = arith.constant 0 : i32
      %dma_start3A_67 = tpu.memref_slice %arg8[%dma_start3A_65, %dma_start3A_66] : memref<10240x16xf32, #tpu.memory_space<vmem_shared>> -> memref<10240x16xf32, #tpu.memory_space<vmem_shared>>
      tpu.enqueue_indirect_dma source(%arg7 : memref<128x16xf32, #tpu.memory_space<vmem>>) target(%dma_start3A_67 : memref<10240x16xf32, #tpu.memory_space<vmem_shared>>) offsets(%dma_start3A_64 : memref<128xi32, #tpu.memory_space<vmem>>) semaphore(%arg9 : memref<!tpu.dma_semaphore, #tpu.memory_space<semaphore_mem>>) {add = true}
      %dma_wait3A_68 = arith.constant 0 : i32
      %dma_wait3A_69 = arith.constant 0 : i32
      %dma_wait3A_70 = tpu.memref_slice %arg6[%dma_wait3A_68, %dma_wait3A_69] : memref<80x128xi32, #tpu.memory_space<vmem>> -> memref<1x128xi32, #tpu.memory_space<vmem>>
      %dma_wait3A_71 = tpu.memref_squeeze %dma_wait3A_70 : memref<1x128xi32, #tpu.memory_space<vmem>> -> memref<128xi32, #tpu.memory_space<vmem>>
      %dma_wait3A_72 = arith.constant 0 : i32
      %dma_wait3A_73 = arith.constant 0 : i32
      %dma_wait3A_74 = tpu.memref_slice %arg8[%dma_wait3A_72, %dma_wait3A_73] : memref<10240x16xf32, #tpu.memory_space<vmem_shared>> -> memref<10240x16xf32, #tpu.memory_space<vmem_shared>>
      tpu.wait_indirect_dma semaphore(%arg10 : memref<!tpu.dma_semaphore, #tpu.memory_space<semaphore_mem>>) src(%arg7 : memref<128x16xf32, #tpu.memory_space<vmem>>) dst(%dma_wait3A_74 : memref<10240x16xf32, #tpu.memory_space<vmem_shared>>)
    }
    %scan3A_13 = arith.constant 39 : i32
    %dma_start3A_14 = arith.constant 79 : i32
    %dma_start3A_15 = arith.constant 0 : i32
    %dma_start3A_16 = tpu.memref_slice %arg6[%dma_start3A_14, %dma_start3A_15] : memref<80x128xi32, #tpu.memory_space<vmem>> -> memref<1x128xi32, #tpu.memory_space<vmem>>
    %dma_start3A_17 = tpu.memref_squeeze %dma_start3A_16 : memref<1x128xi32, #tpu.memory_space<vmem>> -> memref<128xi32, #tpu.memory_space<vmem>>
    %dma_start3A_18 = arith.constant 0 : i32
    %dma_start3A_19 = arith.constant 0 : i32
    %dma_start3A_20 = tpu.memref_slice %arg8[%dma_start3A_18, %dma_start3A_19] : memref<10240x16xf32, #tpu.memory_space<vmem_shared>> -> memref<10240x16xf32, #tpu.memory_space<vmem_shared>>
    tpu.enqueue_indirect_dma source(%arg7 : memref<128x16xf32, #tpu.memory_space<vmem>>) target(%dma_start3A_20 : memref<10240x16xf32, #tpu.memory_space<vmem_shared>>) offsets(%dma_start3A_17 : memref<128xi32, #tpu.memory_space<vmem>>) semaphore(%arg10 : memref<!tpu.dma_semaphore, #tpu.memory_space<semaphore_mem>>) {add = true}
    %dma_wait3A = arith.constant 0 : i32
    %dma_wait3A_21 = arith.constant 0 : i32
    %dma_wait3A_22 = tpu.memref_slice %arg6[%dma_wait3A, %dma_wait3A_21] : memref<80x128xi32, #tpu.memory_space<vmem>> -> memref<1x128xi32, #tpu.memory_space<vmem>>
    %dma_wait3A_23 = tpu.memref_squeeze %dma_wait3A_22 : memref<1x128xi32, #tpu.memory_space<vmem>> -> memref<128xi32, #tpu.memory_space<vmem>>
    %dma_wait3A_24 = arith.constant 0 : i32
    %dma_wait3A_25 = arith.constant 0 : i32
    %dma_wait3A_26 = tpu.memref_slice %arg8[%dma_wait3A_24, %dma_wait3A_25] : memref<10240x16xf32, #tpu.memory_space<vmem_shared>> -> memref<10240x16xf32, #tpu.memory_space<vmem_shared>>
    tpu.wait_indirect_dma semaphore(%arg9 : memref<!tpu.dma_semaphore, #tpu.memory_space<semaphore_mem>>) src(%arg7 : memref<128x16xf32, #tpu.memory_space<vmem>>) dst(%dma_wait3A_26 : memref<10240x16xf32, #tpu.memory_space<vmem_shared>>)
    %dma_wait3A_27 = arith.constant 0 : i32
    %dma_wait3A_28 = arith.constant 0 : i32
    %dma_wait3A_29 = tpu.memref_slice %arg6[%dma_wait3A_27, %dma_wait3A_28] : memref<80x128xi32, #tpu.memory_space<vmem>> -> memref<1x128xi32, #tpu.memory_space<vmem>>
    %dma_wait3A_30 = tpu.memref_squeeze %dma_wait3A_29 : memref<1x128xi32, #tpu.memory_space<vmem>> -> memref<128xi32, #tpu.memory_space<vmem>>
    %dma_wait3A_31 = arith.constant 0 : i32
    %dma_wait3A_32 = arith.constant 0 : i32
    %dma_wait3A_33 = tpu.memref_slice %arg8[%dma_wait3A_31, %dma_wait3A_32] : memref<10240x16xf32, #tpu.memory_space<vmem_shared>> -> memref<10240x16xf32, #tpu.memory_space<vmem_shared>>
    tpu.wait_indirect_dma semaphore(%arg10 : memref<!tpu.dma_semaphore, #tpu.memory_space<semaphore_mem>>) src(%arg7 : memref<128x16xf32, #tpu.memory_space<vmem>>) dst(%dma_wait3A_33 : memref<10240x16xf32, #tpu.memory_space<vmem_shared>>)
    %barrier3A_34 = arith.constant 0 : index
    tpu.barrier barrier_id(%barrier3A_34)
    %mul3A_35 = arith.constant 640 : i32
    %mul3A_36 = arith.muli %arg1, %mul3A_35 : i32
    %mul3A_37 = arith.constant 10240 : i32
    %mul3A_38 = arith.muli %arg0, %mul3A_37 : i32
    %mul3A_39 = arith.constant 640 : i32
    %mul3A_40 = arith.muli %arg1, %mul3A_39 : i32
    %add3A_41 = arith.addi %mul3A_38, %mul3A_40 : i32
    "tpu.region"() ({
      %run_scoped3A = tpu.sem_alloc : memref<!tpu.dma_semaphore, #tpu.memory_space<semaphore_mem>>
      %dma_start3A_42 = arith.constant 0 : i32
      %dma_start3A_43 = tpu.memref_slice %arg5[%add3A_41, %dma_start3A_42] : memref<20480x16xf32, #tpu.memory_space<hbm>> -> memref<640x16xf32, #tpu.memory_space<hbm>>
      %dma_start3A_44 = arith.constant 0 : i32
      %dma_start3A_45 = tpu.memref_slice %arg8[%mul3A_36, %dma_start3A_44] : memref<10240x16xf32, #tpu.memory_space<vmem_shared>> -> memref<640x16xf32, #tpu.memory_space<vmem_shared>>
      tpu.enqueue_dma source(%dma_start3A_45 : memref<640x16xf32, #tpu.memory_space<vmem_shared>>) target(%dma_start3A_43 : memref<640x16xf32, #tpu.memory_space<hbm>>) target_semaphore(%run_scoped3A : memref<!tpu.dma_semaphore, #tpu.memory_space<semaphore_mem>>)
      %dma_wait3A_46 = arith.constant 0 : i32
      %dma_wait3A_47 = tpu.memref_slice %arg5[%add3A_41, %dma_wait3A_46] : memref<20480x16xf32, #tpu.memory_space<hbm>> -> memref<640x16xf32, #tpu.memory_space<hbm>>
      %dma_wait3A_48 = arith.constant 0 : i32
      %dma_wait3A_49 = tpu.memref_slice %arg8[%mul3A_36, %dma_wait3A_48] : memref<10240x16xf32, #tpu.memory_space<vmem_shared>> -> memref<640x16xf32, #tpu.memory_space<vmem_shared>>
      tpu.wait_dma2 semaphore(%run_scoped3A : memref<!tpu.dma_semaphore, #tpu.memory_space<semaphore_mem>>) src(%dma_wait3A_49 : memref<640x16xf32, #tpu.memory_space<vmem_shared>>) dst(%dma_wait3A_47 : memref<640x16xf32, #tpu.memory_space<hbm>>)
      tpu.yield
    }) : () -> ()
    return
  }
}

#map = affine_map<(d0, d1) -> (0, 0)>
#map1 = affine_map<(d0, d1) -> (0, 0, 0)>
module attributes {stable_mosaic.version = 14 : i64} {
  func.func @_scatter_kernel(%arg0: i32, %arg1: i32, %arg2: memref<10240x64xf32, #tpu.memory_space<hbm>>, %arg3: memref<32x84x128xi32, #tpu.memory_space<hbm>>, %arg4: memref<32x80x128xi32, #tpu.memory_space<hbm>>, %arg5: memref<640x64xf32, #tpu.memory_space<hbm>>, %arg6: memref<20480x64xf32, #tpu.memory_space<hbm>>, %arg7: memref<84x128xi32, #tpu.memory_space<vmem>>, %arg8: memref<80x128xi32, #tpu.memory_space<vmem>>, %arg9: memref<128x64xf32, #tpu.memory_space<vmem>>, %arg10: memref<128x64xf32, #tpu.memory_space<vmem>>, %arg11: memref<10240x64xf32, #tpu.memory_space<vmem_shared>>, %arg12: memref<10240x64xf32, #tpu.memory_space<vmem_shared>>, %arg13: memref<!tpu.dma_semaphore, #tpu.memory_space<semaphore_mem>>, %arg14: memref<!tpu.dma_semaphore, #tpu.memory_space<semaphore_mem>>, %arg15: memref<!tpu.dma_semaphore, #tpu.memory_space<semaphore_mem>>, %arg16: memref<!tpu.dma_semaphore, #tpu.memory_space<semaphore_mem>>) attributes {dimension_semantics = [#tpu.dimension_semantics<core_parallel>, #tpu.dimension_semantics<subcore_parallel>], iteration_bounds = array<i64: 2, 16>, scalar_prefetch = 0 : i64, scratch_operands = 10 : i64, tpu.core_type = #tpu.core_type<sc_vector_subcore>, window_params = [{transform_indices = #map}, {transform_indices = #map1}, {transform_indices = #map1}, {transform_indices = #map}, {transform_indices = #map}]} {
    %mul3A = arith.constant 2 : i32
    %mul3A_0 = arith.muli %arg1, %mul3A : i32
    %add3A = arith.addi %mul3A_0, %arg0 : i32
    %dma_start3A = arith.constant 0 : i32
    %dma_start3A_1 = arith.constant 0 : i32
    %dma_start3A_2 = tpu.memref_slice %arg3[%add3A, %dma_start3A, %dma_start3A_1] : memref<32x84x128xi32, #tpu.memory_space<hbm>> -> memref<1x84x128xi32, #tpu.memory_space<hbm>>
    %dma_start3A_3 = tpu.memref_squeeze %dma_start3A_2 : memref<1x84x128xi32, #tpu.memory_space<hbm>> -> memref<84x128xi32, #tpu.memory_space<hbm>>
    %dma_start3A_4 = arith.constant 0 : i32
    %dma_start3A_5 = arith.constant 0 : i32
    %dma_start3A_6 = tpu.memref_slice %arg3[%add3A, %dma_start3A_4, %dma_start3A_5] : memref<32x84x128xi32, #tpu.memory_space<hbm>> -> memref<1x84x128xi32, #tpu.memory_space<hbm>>
    %dma_start3A_7 = tpu.memref_squeeze %dma_start3A_6 : memref<1x84x128xi32, #tpu.memory_space<hbm>> -> memref<84x128xi32, #tpu.memory_space<hbm>>
    tpu.enqueue_dma source(%dma_start3A_7 : memref<84x128xi32, #tpu.memory_space<hbm>>) target(%arg7 : memref<84x128xi32, #tpu.memory_space<vmem>>) target_semaphore(%arg13 : memref<!tpu.dma_semaphore, #tpu.memory_space<semaphore_mem>>)
    %dma_start3A_8 = arith.constant 0 : i32
    %dma_start3A_9 = arith.constant 0 : i32
    %dma_start3A_10 = tpu.memref_slice %arg4[%add3A, %dma_start3A_8, %dma_start3A_9] : memref<32x80x128xi32, #tpu.memory_space<hbm>> -> memref<1x80x128xi32, #tpu.memory_space<hbm>>
    %dma_start3A_11 = tpu.memref_squeeze %dma_start3A_10 : memref<1x80x128xi32, #tpu.memory_space<hbm>> -> memref<80x128xi32, #tpu.memory_space<hbm>>
    %dma_start3A_12 = arith.constant 0 : i32
    %dma_start3A_13 = arith.constant 0 : i32
    %dma_start3A_14 = tpu.memref_slice %arg4[%add3A, %dma_start3A_12, %dma_start3A_13] : memref<32x80x128xi32, #tpu.memory_space<hbm>> -> memref<1x80x128xi32, #tpu.memory_space<hbm>>
    %dma_start3A_15 = tpu.memref_squeeze %dma_start3A_14 : memref<1x80x128xi32, #tpu.memory_space<hbm>> -> memref<80x128xi32, #tpu.memory_space<hbm>>
    tpu.enqueue_dma source(%dma_start3A_15 : memref<80x128xi32, #tpu.memory_space<hbm>>) target(%arg8 : memref<80x128xi32, #tpu.memory_space<vmem>>) target_semaphore(%arg14 : memref<!tpu.dma_semaphore, #tpu.memory_space<semaphore_mem>>)
    %mul3A_16 = arith.constant 640 : i32
    %mul3A_17 = arith.muli %arg1, %mul3A_16 : i32
    %mul3A_18 = arith.constant 640 : i32
    %mul3A_19 = arith.muli %arg1, %mul3A_18 : i32
    %dma_start3A_20 = arith.constant 0 : i32
    %dma_start3A_21 = tpu.memref_slice %arg11[%mul3A_19, %dma_start3A_20] : memref<10240x64xf32, #tpu.memory_space<vmem_shared>> -> memref<640x64xf32, #tpu.memory_space<vmem_shared>>
    %dma_start3A_22 = arith.constant 0 : i32
    %dma_start3A_23 = tpu.memref_slice %arg2[%mul3A_17, %dma_start3A_22] : memref<10240x64xf32, #tpu.memory_space<hbm>> -> memref<640x64xf32, #tpu.memory_space<hbm>>
    tpu.enqueue_dma source(%dma_start3A_23 : memref<640x64xf32, #tpu.memory_space<hbm>>) target(%dma_start3A_21 : memref<640x64xf32, #tpu.memory_space<vmem_shared>>) target_semaphore(%arg15 : memref<!tpu.dma_semaphore, #tpu.memory_space<semaphore_mem>>)
    %mul3A_24 = arith.constant 640 : i32
    %mul3A_25 = arith.muli %arg1, %mul3A_24 : i32
    %dma_start3A_26 = arith.constant 0 : i32
    %dma_start3A_27 = tpu.memref_slice %arg12[%mul3A_25, %dma_start3A_26] : memref<10240x64xf32, #tpu.memory_space<vmem_shared>> -> memref<640x64xf32, #tpu.memory_space<vmem_shared>>
    tpu.enqueue_dma source(%arg5 : memref<640x64xf32, #tpu.memory_space<hbm>>) target(%dma_start3A_27 : memref<640x64xf32, #tpu.memory_space<vmem_shared>>) target_semaphore(%arg16 : memref<!tpu.dma_semaphore, #tpu.memory_space<semaphore_mem>>)
    %dma_wait3A = arith.constant 0 : i32
    %dma_wait3A_28 = arith.constant 0 : i32
    %dma_wait3A_29 = tpu.memref_slice %arg3[%add3A, %dma_wait3A, %dma_wait3A_28] : memref<32x84x128xi32, #tpu.memory_space<hbm>> -> memref<1x84x128xi32, #tpu.memory_space<hbm>>
    %dma_wait3A_30 = tpu.memref_squeeze %dma_wait3A_29 : memref<1x84x128xi32, #tpu.memory_space<hbm>> -> memref<84x128xi32, #tpu.memory_space<hbm>>
    %dma_wait3A_31 = arith.constant 0 : i32
    %dma_wait3A_32 = arith.constant 0 : i32
    %dma_wait3A_33 = tpu.memref_slice %arg3[%add3A, %dma_wait3A_31, %dma_wait3A_32] : memref<32x84x128xi32, #tpu.memory_space<hbm>> -> memref<1x84x128xi32, #tpu.memory_space<hbm>>
    %dma_wait3A_34 = tpu.memref_squeeze %dma_wait3A_33 : memref<1x84x128xi32, #tpu.memory_space<hbm>> -> memref<84x128xi32, #tpu.memory_space<hbm>>
    tpu.wait_dma2 semaphore(%arg13 : memref<!tpu.dma_semaphore, #tpu.memory_space<semaphore_mem>>) src(%dma_wait3A_34 : memref<84x128xi32, #tpu.memory_space<hbm>>) dst(%arg7 : memref<84x128xi32, #tpu.memory_space<vmem>>)
    %dma_wait3A_35 = arith.constant 0 : i32
    %dma_wait3A_36 = arith.constant 0 : i32
    %dma_wait3A_37 = tpu.memref_slice %arg4[%add3A, %dma_wait3A_35, %dma_wait3A_36] : memref<32x80x128xi32, #tpu.memory_space<hbm>> -> memref<1x80x128xi32, #tpu.memory_space<hbm>>
    %dma_wait3A_38 = tpu.memref_squeeze %dma_wait3A_37 : memref<1x80x128xi32, #tpu.memory_space<hbm>> -> memref<80x128xi32, #tpu.memory_space<hbm>>
    %dma_wait3A_39 = arith.constant 0 : i32
    %dma_wait3A_40 = arith.constant 0 : i32
    %dma_wait3A_41 = tpu.memref_slice %arg4[%add3A, %dma_wait3A_39, %dma_wait3A_40] : memref<32x80x128xi32, #tpu.memory_space<hbm>> -> memref<1x80x128xi32, #tpu.memory_space<hbm>>
    %dma_wait3A_42 = tpu.memref_squeeze %dma_wait3A_41 : memref<1x80x128xi32, #tpu.memory_space<hbm>> -> memref<80x128xi32, #tpu.memory_space<hbm>>
    tpu.wait_dma2 semaphore(%arg14 : memref<!tpu.dma_semaphore, #tpu.memory_space<semaphore_mem>>) src(%dma_wait3A_42 : memref<80x128xi32, #tpu.memory_space<hbm>>) dst(%arg8 : memref<80x128xi32, #tpu.memory_space<vmem>>)
    %mul3A_43 = arith.constant 640 : i32
    %mul3A_44 = arith.muli %arg1, %mul3A_43 : i32
    %mul3A_45 = arith.constant 640 : i32
    %mul3A_46 = arith.muli %arg1, %mul3A_45 : i32
    %dma_wait3A_47 = arith.constant 0 : i32
    %dma_wait3A_48 = tpu.memref_slice %arg11[%mul3A_46, %dma_wait3A_47] : memref<10240x64xf32, #tpu.memory_space<vmem_shared>> -> memref<640x64xf32, #tpu.memory_space<vmem_shared>>
    %dma_wait3A_49 = arith.constant 0 : i32
    %dma_wait3A_50 = tpu.memref_slice %arg2[%mul3A_44, %dma_wait3A_49] : memref<10240x64xf32, #tpu.memory_space<hbm>> -> memref<640x64xf32, #tpu.memory_space<hbm>>
    tpu.wait_dma2 semaphore(%arg15 : memref<!tpu.dma_semaphore, #tpu.memory_space<semaphore_mem>>) src(%dma_wait3A_50 : memref<640x64xf32, #tpu.memory_space<hbm>>) dst(%dma_wait3A_48 : memref<640x64xf32, #tpu.memory_space<vmem_shared>>)
    %mul3A_51 = arith.constant 640 : i32
    %mul3A_52 = arith.muli %arg1, %mul3A_51 : i32
    %dma_wait3A_53 = arith.constant 0 : i32
    %dma_wait3A_54 = tpu.memref_slice %arg12[%mul3A_52, %dma_wait3A_53] : memref<10240x64xf32, #tpu.memory_space<vmem_shared>> -> memref<640x64xf32, #tpu.memory_space<vmem_shared>>
    tpu.wait_dma2 semaphore(%arg16 : memref<!tpu.dma_semaphore, #tpu.memory_space<semaphore_mem>>) src(%arg5 : memref<640x64xf32, #tpu.memory_space<hbm>>) dst(%dma_wait3A_54 : memref<640x64xf32, #tpu.memory_space<vmem_shared>>)
    %barrier3A = arith.constant 0 : index
    tpu.barrier barrier_id(%barrier3A)
    %dma_start3A_55 = arith.constant 0 : i32
    %dma_start3A_56 = arith.constant 0 : i32
    %dma_start3A_57 = tpu.memref_slice %arg7[%dma_start3A_55, %dma_start3A_56] : memref<84x128xi32, #tpu.memory_space<vmem>> -> memref<1x128xi32, #tpu.memory_space<vmem>>
    %dma_start3A_58 = tpu.memref_squeeze %dma_start3A_57 : memref<1x128xi32, #tpu.memory_space<vmem>> -> memref<128xi32, #tpu.memory_space<vmem>>
    %dma_start3A_59 = arith.constant 0 : i32
    %dma_start3A_60 = arith.constant 0 : i32
    %dma_start3A_61 = tpu.memref_slice %arg11[%dma_start3A_59, %dma_start3A_60] : memref<10240x64xf32, #tpu.memory_space<vmem_shared>> -> memref<10240x64xf32, #tpu.memory_space<vmem_shared>>
    tpu.enqueue_indirect_dma source(%dma_start3A_61 : memref<10240x64xf32, #tpu.memory_space<vmem_shared>>) target(%arg9 : memref<128x64xf32, #tpu.memory_space<vmem>>) offsets(%dma_start3A_58 : memref<128xi32, #tpu.memory_space<vmem>>) semaphore(%arg13 : memref<!tpu.dma_semaphore, #tpu.memory_space<semaphore_mem>>)
    %scan3A = arith.constant 0 : i32
    %scan3A_62 = arith.constant 0 : i32
    %scan3A_63 = arith.constant 40 : i32
    %scan3A_64 = arith.addi %scan3A_62, %scan3A_63 : i32
    %scan3A_65 = arith.constant 1 : i32
    scf.for %scan3A_82 = %scan3A_62 to %scan3A_64 step %scan3A_65  : i32 {
      %mul3A_83 = arith.constant 2 : i32
      %mul3A_84 = arith.muli %mul3A_83, %scan3A_82 : i32
      %dma_wait3A_85 = arith.constant 0 : i32
      %dma_wait3A_86 = arith.constant 0 : i32
      %dma_wait3A_87 = tpu.memref_slice %arg7[%dma_wait3A_85, %dma_wait3A_86] : memref<84x128xi32, #tpu.memory_space<vmem>> -> memref<1x128xi32, #tpu.memory_space<vmem>>
      %dma_wait3A_88 = tpu.memref_squeeze %dma_wait3A_87 : memref<1x128xi32, #tpu.memory_space<vmem>> -> memref<128xi32, #tpu.memory_space<vmem>>
      %dma_wait3A_89 = arith.constant 0 : i32
      %dma_wait3A_90 = arith.constant 0 : i32
      %dma_wait3A_91 = tpu.memref_slice %arg11[%dma_wait3A_89, %dma_wait3A_90] : memref<10240x64xf32, #tpu.memory_space<vmem_shared>> -> memref<10240x64xf32, #tpu.memory_space<vmem_shared>>
      tpu.wait_indirect_dma semaphore(%arg13 : memref<!tpu.dma_semaphore, #tpu.memory_space<semaphore_mem>>) src(%dma_wait3A_91 : memref<10240x64xf32, #tpu.memory_space<vmem_shared>>) dst(%arg9 : memref<128x64xf32, #tpu.memory_space<vmem>>)
      %add3A_92 = arith.constant 1 : i32
      %add3A_93 = arith.addi %mul3A_84, %add3A_92 : i32
      %dma_start3A_94 = arith.constant 0 : i32
      %dma_start3A_95 = tpu.memref_slice %arg7[%add3A_93, %dma_start3A_94] : memref<84x128xi32, #tpu.memory_space<vmem>> -> memref<1x128xi32, #tpu.memory_space<vmem>>
      %dma_start3A_96 = tpu.memref_squeeze %dma_start3A_95 : memref<1x128xi32, #tpu.memory_space<vmem>> -> memref<128xi32, #tpu.memory_space<vmem>>
      %dma_start3A_97 = arith.constant 0 : i32
      %dma_start3A_98 = arith.constant 0 : i32
      %dma_start3A_99 = tpu.memref_slice %arg11[%dma_start3A_97, %dma_start3A_98] : memref<10240x64xf32, #tpu.memory_space<vmem_shared>> -> memref<10240x64xf32, #tpu.memory_space<vmem_shared>>
      tpu.enqueue_indirect_dma source(%dma_start3A_99 : memref<10240x64xf32, #tpu.memory_space<vmem_shared>>) target(%arg10 : memref<128x64xf32, #tpu.memory_space<vmem>>) offsets(%dma_start3A_96 : memref<128xi32, #tpu.memory_space<vmem>>) semaphore(%arg14 : memref<!tpu.dma_semaphore, #tpu.memory_space<semaphore_mem>>)
      "tpu.region"() ({
        %run_scoped3A = tpu.sem_alloc : memref<!tpu.dma_semaphore, #tpu.memory_space<semaphore_mem>>
        %dma_start3A_117 = arith.constant 0 : i32
        %dma_start3A_118 = tpu.memref_slice %arg8[%mul3A_84, %dma_start3A_117] : memref<80x128xi32, #tpu.memory_space<vmem>> -> memref<1x128xi32, #tpu.memory_space<vmem>>
        %dma_start3A_119 = tpu.memref_squeeze %dma_start3A_118 : memref<1x128xi32, #tpu.memory_space<vmem>> -> memref<128xi32, #tpu.memory_space<vmem>>
        %dma_start3A_120 = arith.constant 0 : i32
        %dma_start3A_121 = arith.constant 0 : i32
        %dma_start3A_122 = tpu.memref_slice %arg12[%dma_start3A_120, %dma_start3A_121] : memref<10240x64xf32, #tpu.memory_space<vmem_shared>> -> memref<10240x64xf32, #tpu.memory_space<vmem_shared>>
        tpu.enqueue_indirect_dma source(%arg9 : memref<128x64xf32, #tpu.memory_space<vmem>>) target(%dma_start3A_122 : memref<10240x64xf32, #tpu.memory_space<vmem_shared>>) offsets(%dma_start3A_119 : memref<128xi32, #tpu.memory_space<vmem>>) semaphore(%run_scoped3A : memref<!tpu.dma_semaphore, #tpu.memory_space<semaphore_mem>>) {add = true}
        %dma_wait3A_123 = arith.constant 0 : i32
        %dma_wait3A_124 = tpu.memref_slice %arg8[%mul3A_84, %dma_wait3A_123] : memref<80x128xi32, #tpu.memory_space<vmem>> -> memref<1x128xi32, #tpu.memory_space<vmem>>
        %dma_wait3A_125 = tpu.memref_squeeze %dma_wait3A_124 : memref<1x128xi32, #tpu.memory_space<vmem>> -> memref<128xi32, #tpu.memory_space<vmem>>
        %dma_wait3A_126 = arith.constant 0 : i32
        %dma_wait3A_127 = arith.constant 0 : i32
        %dma_wait3A_128 = tpu.memref_slice %arg12[%dma_wait3A_126, %dma_wait3A_127] : memref<10240x64xf32, #tpu.memory_space<vmem_shared>> -> memref<10240x64xf32, #tpu.memory_space<vmem_shared>>
        tpu.wait_indirect_dma semaphore(%run_scoped3A : memref<!tpu.dma_semaphore, #tpu.memory_space<semaphore_mem>>) src(%arg9 : memref<128x64xf32, #tpu.memory_space<vmem>>) dst(%dma_wait3A_128 : memref<10240x64xf32, #tpu.memory_space<vmem_shared>>)
        tpu.yield
      }) : () -> ()
      %dma_wait3A_100 = arith.constant 0 : i32
      %dma_wait3A_101 = arith.constant 0 : i32
      %dma_wait3A_102 = tpu.memref_slice %arg7[%dma_wait3A_100, %dma_wait3A_101] : memref<84x128xi32, #tpu.memory_space<vmem>> -> memref<1x128xi32, #tpu.memory_space<vmem>>
      %dma_wait3A_103 = tpu.memref_squeeze %dma_wait3A_102 : memref<1x128xi32, #tpu.memory_space<vmem>> -> memref<128xi32, #tpu.memory_space<vmem>>
      %dma_wait3A_104 = arith.constant 0 : i32
      %dma_wait3A_105 = arith.constant 0 : i32
      %dma_wait3A_106 = tpu.memref_slice %arg11[%dma_wait3A_104, %dma_wait3A_105] : memref<10240x64xf32, #tpu.memory_space<vmem_shared>> -> memref<10240x64xf32, #tpu.memory_space<vmem_shared>>
      tpu.wait_indirect_dma semaphore(%arg14 : memref<!tpu.dma_semaphore, #tpu.memory_space<semaphore_mem>>) src(%dma_wait3A_106 : memref<10240x64xf32, #tpu.memory_space<vmem_shared>>) dst(%arg10 : memref<128x64xf32, #tpu.memory_space<vmem>>)
      %add3A_107 = arith.constant 2 : i32
      %add3A_108 = arith.addi %mul3A_84, %add3A_107 : i32
      %dma_start3A_109 = arith.constant 0 : i32
      %dma_start3A_110 = tpu.memref_slice %arg7[%add3A_108, %dma_start3A_109] : memref<84x128xi32, #tpu.memory_space<vmem>> -> memref<1x128xi32, #tpu.memory_space<vmem>>
      %dma_start3A_111 = tpu.memref_squeeze %dma_start3A_110 : memref<1x128xi32, #tpu.memory_space<vmem>> -> memref<128xi32, #tpu.memory_space<vmem>>
      %dma_start3A_112 = arith.constant 0 : i32
      %dma_start3A_113 = arith.constant 0 : i32
      %dma_start3A_114 = tpu.memref_slice %arg11[%dma_start3A_112, %dma_start3A_113] : memref<10240x64xf32, #tpu.memory_space<vmem_shared>> -> memref<10240x64xf32, #tpu.memory_space<vmem_shared>>
      tpu.enqueue_indirect_dma source(%dma_start3A_114 : memref<10240x64xf32, #tpu.memory_space<vmem_shared>>) target(%arg9 : memref<128x64xf32, #tpu.memory_space<vmem>>) offsets(%dma_start3A_111 : memref<128xi32, #tpu.memory_space<vmem>>) semaphore(%arg13 : memref<!tpu.dma_semaphore, #tpu.memory_space<semaphore_mem>>)
      %add3A_115 = arith.constant 1 : i32
      %add3A_116 = arith.addi %mul3A_84, %add3A_115 : i32
      "tpu.region"() ({
        %run_scoped3A = tpu.sem_alloc : memref<!tpu.dma_semaphore, #tpu.memory_space<semaphore_mem>>
        %dma_start3A_117 = arith.constant 0 : i32
        %dma_start3A_118 = tpu.memref_slice %arg8[%add3A_116, %dma_start3A_117] : memref<80x128xi32, #tpu.memory_space<vmem>> -> memref<1x128xi32, #tpu.memory_space<vmem>>
        %dma_start3A_119 = tpu.memref_squeeze %dma_start3A_118 : memref<1x128xi32, #tpu.memory_space<vmem>> -> memref<128xi32, #tpu.memory_space<vmem>>
        %dma_start3A_120 = arith.constant 0 : i32
        %dma_start3A_121 = arith.constant 0 : i32
        %dma_start3A_122 = tpu.memref_slice %arg12[%dma_start3A_120, %dma_start3A_121] : memref<10240x64xf32, #tpu.memory_space<vmem_shared>> -> memref<10240x64xf32, #tpu.memory_space<vmem_shared>>
        tpu.enqueue_indirect_dma source(%arg10 : memref<128x64xf32, #tpu.memory_space<vmem>>) target(%dma_start3A_122 : memref<10240x64xf32, #tpu.memory_space<vmem_shared>>) offsets(%dma_start3A_119 : memref<128xi32, #tpu.memory_space<vmem>>) semaphore(%run_scoped3A : memref<!tpu.dma_semaphore, #tpu.memory_space<semaphore_mem>>) {add = true}
        %dma_wait3A_123 = arith.constant 0 : i32
        %dma_wait3A_124 = tpu.memref_slice %arg8[%add3A_116, %dma_wait3A_123] : memref<80x128xi32, #tpu.memory_space<vmem>> -> memref<1x128xi32, #tpu.memory_space<vmem>>
        %dma_wait3A_125 = tpu.memref_squeeze %dma_wait3A_124 : memref<1x128xi32, #tpu.memory_space<vmem>> -> memref<128xi32, #tpu.memory_space<vmem>>
        %dma_wait3A_126 = arith.constant 0 : i32
        %dma_wait3A_127 = arith.constant 0 : i32
        %dma_wait3A_128 = tpu.memref_slice %arg12[%dma_wait3A_126, %dma_wait3A_127] : memref<10240x64xf32, #tpu.memory_space<vmem_shared>> -> memref<10240x64xf32, #tpu.memory_space<vmem_shared>>
        tpu.wait_indirect_dma semaphore(%run_scoped3A : memref<!tpu.dma_semaphore, #tpu.memory_space<semaphore_mem>>) src(%arg10 : memref<128x64xf32, #tpu.memory_space<vmem>>) dst(%dma_wait3A_128 : memref<10240x64xf32, #tpu.memory_space<vmem_shared>>)
        tpu.yield
      }) : () -> ()
    }
    %scan3A_66 = arith.constant 40 : i32
    %dma_wait3A_67 = arith.constant 0 : i32
    %dma_wait3A_68 = arith.constant 0 : i32
    %dma_wait3A_69 = tpu.memref_slice %arg7[%dma_wait3A_67, %dma_wait3A_68] : memref<84x128xi32, #tpu.memory_space<vmem>> -> memref<1x128xi32, #tpu.memory_space<vmem>>
    %dma_wait3A_70 = tpu.memref_squeeze %dma_wait3A_69 : memref<1x128xi32, #tpu.memory_space<vmem>> -> memref<128xi32, #tpu.memory_space<vmem>>
    %dma_wait3A_71 = arith.constant 0 : i32
    %dma_wait3A_72 = arith.constant 0 : i32
    %dma_wait3A_73 = tpu.memref_slice %arg11[%dma_wait3A_71, %dma_wait3A_72] : memref<10240x64xf32, #tpu.memory_space<vmem_shared>> -> memref<10240x64xf32, #tpu.memory_space<vmem_shared>>
    tpu.wait_indirect_dma semaphore(%arg13 : memref<!tpu.dma_semaphore, #tpu.memory_space<semaphore_mem>>) src(%dma_wait3A_73 : memref<10240x64xf32, #tpu.memory_space<vmem_shared>>) dst(%arg9 : memref<128x64xf32, #tpu.memory_space<vmem>>)
    %barrier3A_74 = arith.constant 0 : index
    tpu.barrier barrier_id(%barrier3A_74)
    %mul3A_75 = arith.constant 640 : i32
    %mul3A_76 = arith.muli %arg1, %mul3A_75 : i32
    %mul3A_77 = arith.constant 10240 : i32
    %mul3A_78 = arith.muli %arg0, %mul3A_77 : i32
    %mul3A_79 = arith.constant 640 : i32
    %mul3A_80 = arith.muli %arg1, %mul3A_79 : i32
    %add3A_81 = arith.addi %mul3A_78, %mul3A_80 : i32
    "tpu.region"() ({
      %run_scoped3A = tpu.sem_alloc : memref<!tpu.dma_semaphore, #tpu.memory_space<semaphore_mem>>
      %dma_start3A_82 = arith.constant 0 : i32
      %dma_start3A_83 = tpu.memref_slice %arg6[%add3A_81, %dma_start3A_82] : memref<20480x64xf32, #tpu.memory_space<hbm>> -> memref<640x64xf32, #tpu.memory_space<hbm>>
      %dma_start3A_84 = arith.constant 0 : i32
      %dma_start3A_85 = tpu.memref_slice %arg12[%mul3A_76, %dma_start3A_84] : memref<10240x64xf32, #tpu.memory_space<vmem_shared>> -> memref<640x64xf32, #tpu.memory_space<vmem_shared>>
      tpu.enqueue_dma source(%dma_start3A_85 : memref<640x64xf32, #tpu.memory_space<vmem_shared>>) target(%dma_start3A_83 : memref<640x64xf32, #tpu.memory_space<hbm>>) target_semaphore(%run_scoped3A : memref<!tpu.dma_semaphore, #tpu.memory_space<semaphore_mem>>)
      %dma_wait3A_86 = arith.constant 0 : i32
      %dma_wait3A_87 = tpu.memref_slice %arg6[%add3A_81, %dma_wait3A_86] : memref<20480x64xf32, #tpu.memory_space<hbm>> -> memref<640x64xf32, #tpu.memory_space<hbm>>
      %dma_wait3A_88 = arith.constant 0 : i32
      %dma_wait3A_89 = tpu.memref_slice %arg12[%mul3A_76, %dma_wait3A_88] : memref<10240x64xf32, #tpu.memory_space<vmem_shared>> -> memref<640x64xf32, #tpu.memory_space<vmem_shared>>
      tpu.wait_dma2 semaphore(%run_scoped3A : memref<!tpu.dma_semaphore, #tpu.memory_space<semaphore_mem>>) src(%dma_wait3A_89 : memref<640x64xf32, #tpu.memory_space<vmem_shared>>) dst(%dma_wait3A_87 : memref<640x64xf32, #tpu.memory_space<hbm>>)
      tpu.yield
    }) : () -> ()
    return
  }
}

#map = affine_map<(d0, d1) -> (0, 0)>
#map1 = affine_map<(d0, d1) -> (0, 0, 0)>
module attributes {stable_mosaic.version = 14 : i64} {
  func.func @_scatter_kernel(%arg0: i32, %arg1: i32, %arg2: memref<10240x64xf32, #tpu.memory_space<hbm>>, %arg3: memref<32x84x128xi32, #tpu.memory_space<hbm>>, %arg4: memref<32x80x128xi32, #tpu.memory_space<hbm>>, %arg5: memref<640x64xf32, #tpu.memory_space<hbm>>, %arg6: memref<20480x64xf32, #tpu.memory_space<hbm>>, %arg7: memref<84x128xi32, #tpu.memory_space<vmem>>, %arg8: memref<80x128xi32, #tpu.memory_space<vmem>>, %arg9: memref<128x64xf32, #tpu.memory_space<vmem>>, %arg10: memref<128x64xf32, #tpu.memory_space<vmem>>, %arg11: memref<10240x64xf32, #tpu.memory_space<vmem_shared>>, %arg12: memref<10240x64xf32, #tpu.memory_space<vmem_shared>>, %arg13: memref<!tpu.dma_semaphore, #tpu.memory_space<semaphore_mem>>, %arg14: memref<!tpu.dma_semaphore, #tpu.memory_space<semaphore_mem>>, %arg15: memref<!tpu.dma_semaphore, #tpu.memory_space<semaphore_mem>>, %arg16: memref<!tpu.dma_semaphore, #tpu.memory_space<semaphore_mem>>) attributes {dimension_semantics = [#tpu.dimension_semantics<core_parallel>, #tpu.dimension_semantics<subcore_parallel>], iteration_bounds = array<i64: 2, 16>, scalar_prefetch = 0 : i64, scratch_operands = 10 : i64, tpu.core_type = #tpu.core_type<sc_vector_subcore>, window_params = [{transform_indices = #map}, {transform_indices = #map1}, {transform_indices = #map1}, {transform_indices = #map}, {transform_indices = #map}]} {
    %mul3A = arith.constant 2 : i32
    %mul3A_0 = arith.muli %arg1, %mul3A : i32
    %add3A = arith.addi %mul3A_0, %arg0 : i32
    %dma_start3A = arith.constant 0 : i32
    %dma_start3A_1 = arith.constant 0 : i32
    %dma_start3A_2 = tpu.memref_slice %arg3[%add3A, %dma_start3A, %dma_start3A_1] : memref<32x84x128xi32, #tpu.memory_space<hbm>> -> memref<1x84x128xi32, #tpu.memory_space<hbm>>
    %dma_start3A_3 = tpu.memref_squeeze %dma_start3A_2 : memref<1x84x128xi32, #tpu.memory_space<hbm>> -> memref<84x128xi32, #tpu.memory_space<hbm>>
    %dma_start3A_4 = arith.constant 0 : i32
    %dma_start3A_5 = arith.constant 0 : i32
    %dma_start3A_6 = tpu.memref_slice %arg3[%add3A, %dma_start3A_4, %dma_start3A_5] : memref<32x84x128xi32, #tpu.memory_space<hbm>> -> memref<1x84x128xi32, #tpu.memory_space<hbm>>
    %dma_start3A_7 = tpu.memref_squeeze %dma_start3A_6 : memref<1x84x128xi32, #tpu.memory_space<hbm>> -> memref<84x128xi32, #tpu.memory_space<hbm>>
    tpu.enqueue_dma source(%dma_start3A_7 : memref<84x128xi32, #tpu.memory_space<hbm>>) target(%arg7 : memref<84x128xi32, #tpu.memory_space<vmem>>) target_semaphore(%arg13 : memref<!tpu.dma_semaphore, #tpu.memory_space<semaphore_mem>>)
    %dma_start3A_8 = arith.constant 0 : i32
    %dma_start3A_9 = arith.constant 0 : i32
    %dma_start3A_10 = tpu.memref_slice %arg4[%add3A, %dma_start3A_8, %dma_start3A_9] : memref<32x80x128xi32, #tpu.memory_space<hbm>> -> memref<1x80x128xi32, #tpu.memory_space<hbm>>
    %dma_start3A_11 = tpu.memref_squeeze %dma_start3A_10 : memref<1x80x128xi32, #tpu.memory_space<hbm>> -> memref<80x128xi32, #tpu.memory_space<hbm>>
    %dma_start3A_12 = arith.constant 0 : i32
    %dma_start3A_13 = arith.constant 0 : i32
    %dma_start3A_14 = tpu.memref_slice %arg4[%add3A, %dma_start3A_12, %dma_start3A_13] : memref<32x80x128xi32, #tpu.memory_space<hbm>> -> memref<1x80x128xi32, #tpu.memory_space<hbm>>
    %dma_start3A_15 = tpu.memref_squeeze %dma_start3A_14 : memref<1x80x128xi32, #tpu.memory_space<hbm>> -> memref<80x128xi32, #tpu.memory_space<hbm>>
    tpu.enqueue_dma source(%dma_start3A_15 : memref<80x128xi32, #tpu.memory_space<hbm>>) target(%arg8 : memref<80x128xi32, #tpu.memory_space<vmem>>) target_semaphore(%arg14 : memref<!tpu.dma_semaphore, #tpu.memory_space<semaphore_mem>>)
    %mul3A_16 = arith.constant 640 : i32
    %mul3A_17 = arith.muli %arg1, %mul3A_16 : i32
    %mul3A_18 = arith.constant 640 : i32
    %mul3A_19 = arith.muli %arg1, %mul3A_18 : i32
    %dma_start3A_20 = arith.constant 0 : i32
    %dma_start3A_21 = tpu.memref_slice %arg11[%mul3A_19, %dma_start3A_20] : memref<10240x64xf32, #tpu.memory_space<vmem_shared>> -> memref<640x64xf32, #tpu.memory_space<vmem_shared>>
    %dma_start3A_22 = arith.constant 0 : i32
    %dma_start3A_23 = tpu.memref_slice %arg2[%mul3A_17, %dma_start3A_22] : memref<10240x64xf32, #tpu.memory_space<hbm>> -> memref<640x64xf32, #tpu.memory_space<hbm>>
    tpu.enqueue_dma source(%dma_start3A_23 : memref<640x64xf32, #tpu.memory_space<hbm>>) target(%dma_start3A_21 : memref<640x64xf32, #tpu.memory_space<vmem_shared>>) target_semaphore(%arg15 : memref<!tpu.dma_semaphore, #tpu.memory_space<semaphore_mem>>)
    %mul3A_24 = arith.constant 640 : i32
    %mul3A_25 = arith.muli %arg1, %mul3A_24 : i32
    %dma_start3A_26 = arith.constant 0 : i32
    %dma_start3A_27 = tpu.memref_slice %arg12[%mul3A_25, %dma_start3A_26] : memref<10240x64xf32, #tpu.memory_space<vmem_shared>> -> memref<640x64xf32, #tpu.memory_space<vmem_shared>>
    tpu.enqueue_dma source(%arg5 : memref<640x64xf32, #tpu.memory_space<hbm>>) target(%dma_start3A_27 : memref<640x64xf32, #tpu.memory_space<vmem_shared>>) target_semaphore(%arg16 : memref<!tpu.dma_semaphore, #tpu.memory_space<semaphore_mem>>)
    %dma_wait3A = arith.constant 0 : i32
    %dma_wait3A_28 = arith.constant 0 : i32
    %dma_wait3A_29 = tpu.memref_slice %arg3[%add3A, %dma_wait3A, %dma_wait3A_28] : memref<32x84x128xi32, #tpu.memory_space<hbm>> -> memref<1x84x128xi32, #tpu.memory_space<hbm>>
    %dma_wait3A_30 = tpu.memref_squeeze %dma_wait3A_29 : memref<1x84x128xi32, #tpu.memory_space<hbm>> -> memref<84x128xi32, #tpu.memory_space<hbm>>
    %dma_wait3A_31 = arith.constant 0 : i32
    %dma_wait3A_32 = arith.constant 0 : i32
    %dma_wait3A_33 = tpu.memref_slice %arg3[%add3A, %dma_wait3A_31, %dma_wait3A_32] : memref<32x84x128xi32, #tpu.memory_space<hbm>> -> memref<1x84x128xi32, #tpu.memory_space<hbm>>
    %dma_wait3A_34 = tpu.memref_squeeze %dma_wait3A_33 : memref<1x84x128xi32, #tpu.memory_space<hbm>> -> memref<84x128xi32, #tpu.memory_space<hbm>>
    tpu.wait_dma2 semaphore(%arg13 : memref<!tpu.dma_semaphore, #tpu.memory_space<semaphore_mem>>) src(%dma_wait3A_34 : memref<84x128xi32, #tpu.memory_space<hbm>>) dst(%arg7 : memref<84x128xi32, #tpu.memory_space<vmem>>)
    %dma_wait3A_35 = arith.constant 0 : i32
    %dma_wait3A_36 = arith.constant 0 : i32
    %dma_wait3A_37 = tpu.memref_slice %arg4[%add3A, %dma_wait3A_35, %dma_wait3A_36] : memref<32x80x128xi32, #tpu.memory_space<hbm>> -> memref<1x80x128xi32, #tpu.memory_space<hbm>>
    %dma_wait3A_38 = tpu.memref_squeeze %dma_wait3A_37 : memref<1x80x128xi32, #tpu.memory_space<hbm>> -> memref<80x128xi32, #tpu.memory_space<hbm>>
    %dma_wait3A_39 = arith.constant 0 : i32
    %dma_wait3A_40 = arith.constant 0 : i32
    %dma_wait3A_41 = tpu.memref_slice %arg4[%add3A, %dma_wait3A_39, %dma_wait3A_40] : memref<32x80x128xi32, #tpu.memory_space<hbm>> -> memref<1x80x128xi32, #tpu.memory_space<hbm>>
    %dma_wait3A_42 = tpu.memref_squeeze %dma_wait3A_41 : memref<1x80x128xi32, #tpu.memory_space<hbm>> -> memref<80x128xi32, #tpu.memory_space<hbm>>
    tpu.wait_dma2 semaphore(%arg14 : memref<!tpu.dma_semaphore, #tpu.memory_space<semaphore_mem>>) src(%dma_wait3A_42 : memref<80x128xi32, #tpu.memory_space<hbm>>) dst(%arg8 : memref<80x128xi32, #tpu.memory_space<vmem>>)
    %mul3A_43 = arith.constant 640 : i32
    %mul3A_44 = arith.muli %arg1, %mul3A_43 : i32
    %mul3A_45 = arith.constant 640 : i32
    %mul3A_46 = arith.muli %arg1, %mul3A_45 : i32
    %dma_wait3A_47 = arith.constant 0 : i32
    %dma_wait3A_48 = tpu.memref_slice %arg11[%mul3A_46, %dma_wait3A_47] : memref<10240x64xf32, #tpu.memory_space<vmem_shared>> -> memref<640x64xf32, #tpu.memory_space<vmem_shared>>
    %dma_wait3A_49 = arith.constant 0 : i32
    %dma_wait3A_50 = tpu.memref_slice %arg2[%mul3A_44, %dma_wait3A_49] : memref<10240x64xf32, #tpu.memory_space<hbm>> -> memref<640x64xf32, #tpu.memory_space<hbm>>
    tpu.wait_dma2 semaphore(%arg15 : memref<!tpu.dma_semaphore, #tpu.memory_space<semaphore_mem>>) src(%dma_wait3A_50 : memref<640x64xf32, #tpu.memory_space<hbm>>) dst(%dma_wait3A_48 : memref<640x64xf32, #tpu.memory_space<vmem_shared>>)
    %mul3A_51 = arith.constant 640 : i32
    %mul3A_52 = arith.muli %arg1, %mul3A_51 : i32
    %dma_wait3A_53 = arith.constant 0 : i32
    %dma_wait3A_54 = tpu.memref_slice %arg12[%mul3A_52, %dma_wait3A_53] : memref<10240x64xf32, #tpu.memory_space<vmem_shared>> -> memref<640x64xf32, #tpu.memory_space<vmem_shared>>
    tpu.wait_dma2 semaphore(%arg16 : memref<!tpu.dma_semaphore, #tpu.memory_space<semaphore_mem>>) src(%arg5 : memref<640x64xf32, #tpu.memory_space<hbm>>) dst(%dma_wait3A_54 : memref<640x64xf32, #tpu.memory_space<vmem_shared>>)
    %barrier3A = arith.constant 0 : index
    tpu.barrier barrier_id(%barrier3A)
    %dma_start3A_55 = arith.constant 0 : i32
    %dma_start3A_56 = arith.constant 0 : i32
    %dma_start3A_57 = tpu.memref_slice %arg7[%dma_start3A_55, %dma_start3A_56] : memref<84x128xi32, #tpu.memory_space<vmem>> -> memref<1x128xi32, #tpu.memory_space<vmem>>
    %dma_start3A_58 = tpu.memref_squeeze %dma_start3A_57 : memref<1x128xi32, #tpu.memory_space<vmem>> -> memref<128xi32, #tpu.memory_space<vmem>>
    %dma_start3A_59 = arith.constant 0 : i32
    %dma_start3A_60 = arith.constant 0 : i32
    %dma_start3A_61 = tpu.memref_slice %arg11[%dma_start3A_59, %dma_start3A_60] : memref<10240x64xf32, #tpu.memory_space<vmem_shared>> -> memref<10240x64xf32, #tpu.memory_space<vmem_shared>>
    tpu.enqueue_indirect_dma source(%dma_start3A_61 : memref<10240x64xf32, #tpu.memory_space<vmem_shared>>) target(%arg9 : memref<128x64xf32, #tpu.memory_space<vmem>>) offsets(%dma_start3A_58 : memref<128xi32, #tpu.memory_space<vmem>>) semaphore(%arg13 : memref<!tpu.dma_semaphore, #tpu.memory_space<semaphore_mem>>)
    %scan3A = arith.constant 0 : i32
    %scan3A_62 = arith.constant 0 : i32
    %scan3A_63 = arith.constant 40 : i32
    %scan3A_64 = arith.addi %scan3A_62, %scan3A_63 : i32
    %scan3A_65 = arith.constant 1 : i32
    scf.for %scan3A_82 = %scan3A_62 to %scan3A_64 step %scan3A_65  : i32 {
      %mul3A_83 = arith.constant 2 : i32
      %mul3A_84 = arith.muli %mul3A_83, %scan3A_82 : i32
      %dma_wait3A_85 = arith.constant 0 : i32
      %dma_wait3A_86 = arith.constant 0 : i32
      %dma_wait3A_87 = tpu.memref_slice %arg7[%dma_wait3A_85, %dma_wait3A_86] : memref<84x128xi32, #tpu.memory_space<vmem>> -> memref<1x128xi32, #tpu.memory_space<vmem>>
      %dma_wait3A_88 = tpu.memref_squeeze %dma_wait3A_87 : memref<1x128xi32, #tpu.memory_space<vmem>> -> memref<128xi32, #tpu.memory_space<vmem>>
      %dma_wait3A_89 = arith.constant 0 : i32
      %dma_wait3A_90 = arith.constant 0 : i32
      %dma_wait3A_91 = tpu.memref_slice %arg11[%dma_wait3A_89, %dma_wait3A_90] : memref<10240x64xf32, #tpu.memory_space<vmem_shared>> -> memref<10240x64xf32, #tpu.memory_space<vmem_shared>>
      tpu.wait_indirect_dma semaphore(%arg13 : memref<!tpu.dma_semaphore, #tpu.memory_space<semaphore_mem>>) src(%dma_wait3A_91 : memref<10240x64xf32, #tpu.memory_space<vmem_shared>>) dst(%arg9 : memref<128x64xf32, #tpu.memory_space<vmem>>)
      %add3A_92 = arith.constant 1 : i32
      %add3A_93 = arith.addi %mul3A_84, %add3A_92 : i32
      %dma_start3A_94 = arith.constant 0 : i32
      %dma_start3A_95 = tpu.memref_slice %arg7[%add3A_93, %dma_start3A_94] : memref<84x128xi32, #tpu.memory_space<vmem>> -> memref<1x128xi32, #tpu.memory_space<vmem>>
      %dma_start3A_96 = tpu.memref_squeeze %dma_start3A_95 : memref<1x128xi32, #tpu.memory_space<vmem>> -> memref<128xi32, #tpu.memory_space<vmem>>
      %dma_start3A_97 = arith.constant 0 : i32
      %dma_start3A_98 = arith.constant 0 : i32
      %dma_start3A_99 = tpu.memref_slice %arg11[%dma_start3A_97, %dma_start3A_98] : memref<10240x64xf32, #tpu.memory_space<vmem_shared>> -> memref<10240x64xf32, #tpu.memory_space<vmem_shared>>
      tpu.enqueue_indirect_dma source(%dma_start3A_99 : memref<10240x64xf32, #tpu.memory_space<vmem_shared>>) target(%arg10 : memref<128x64xf32, #tpu.memory_space<vmem>>) offsets(%dma_start3A_96 : memref<128xi32, #tpu.memory_space<vmem>>) semaphore(%arg14 : memref<!tpu.dma_semaphore, #tpu.memory_space<semaphore_mem>>)
      "tpu.region"() ({
        %run_scoped3A = tpu.sem_alloc : memref<!tpu.dma_semaphore, #tpu.memory_space<semaphore_mem>>
        %dma_start3A_117 = arith.constant 0 : i32
        %dma_start3A_118 = tpu.memref_slice %arg8[%mul3A_84, %dma_start3A_117] : memref<80x128xi32, #tpu.memory_space<vmem>> -> memref<1x128xi32, #tpu.memory_space<vmem>>
        %dma_start3A_119 = tpu.memref_squeeze %dma_start3A_118 : memref<1x128xi32, #tpu.memory_space<vmem>> -> memref<128xi32, #tpu.memory_space<vmem>>
        %dma_start3A_120 = arith.constant 0 : i32
        %dma_start3A_121 = arith.constant 0 : i32
        %dma_start3A_122 = tpu.memref_slice %arg12[%dma_start3A_120, %dma_start3A_121] : memref<10240x64xf32, #tpu.memory_space<vmem_shared>> -> memref<10240x64xf32, #tpu.memory_space<vmem_shared>>
        tpu.enqueue_indirect_dma source(%arg9 : memref<128x64xf32, #tpu.memory_space<vmem>>) target(%dma_start3A_122 : memref<10240x64xf32, #tpu.memory_space<vmem_shared>>) offsets(%dma_start3A_119 : memref<128xi32, #tpu.memory_space<vmem>>) semaphore(%run_scoped3A : memref<!tpu.dma_semaphore, #tpu.memory_space<semaphore_mem>>) {add = true}
        %dma_wait3A_123 = arith.constant 0 : i32
        %dma_wait3A_124 = tpu.memref_slice %arg8[%mul3A_84, %dma_wait3A_123] : memref<80x128xi32, #tpu.memory_space<vmem>> -> memref<1x128xi32, #tpu.memory_space<vmem>>
        %dma_wait3A_125 = tpu.memref_squeeze %dma_wait3A_124 : memref<1x128xi32, #tpu.memory_space<vmem>> -> memref<128xi32, #tpu.memory_space<vmem>>
        %dma_wait3A_126 = arith.constant 0 : i32
        %dma_wait3A_127 = arith.constant 0 : i32
        %dma_wait3A_128 = tpu.memref_slice %arg12[%dma_wait3A_126, %dma_wait3A_127] : memref<10240x64xf32, #tpu.memory_space<vmem_shared>> -> memref<10240x64xf32, #tpu.memory_space<vmem_shared>>
        tpu.wait_indirect_dma semaphore(%run_scoped3A : memref<!tpu.dma_semaphore, #tpu.memory_space<semaphore_mem>>) src(%arg9 : memref<128x64xf32, #tpu.memory_space<vmem>>) dst(%dma_wait3A_128 : memref<10240x64xf32, #tpu.memory_space<vmem_shared>>)
        tpu.yield
      }) : () -> ()
      %dma_wait3A_100 = arith.constant 0 : i32
      %dma_wait3A_101 = arith.constant 0 : i32
      %dma_wait3A_102 = tpu.memref_slice %arg7[%dma_wait3A_100, %dma_wait3A_101] : memref<84x128xi32, #tpu.memory_space<vmem>> -> memref<1x128xi32, #tpu.memory_space<vmem>>
      %dma_wait3A_103 = tpu.memref_squeeze %dma_wait3A_102 : memref<1x128xi32, #tpu.memory_space<vmem>> -> memref<128xi32, #tpu.memory_space<vmem>>
      %dma_wait3A_104 = arith.constant 0 : i32
      %dma_wait3A_105 = arith.constant 0 : i32
      %dma_wait3A_106 = tpu.memref_slice %arg11[%dma_wait3A_104, %dma_wait3A_105] : memref<10240x64xf32, #tpu.memory_space<vmem_shared>> -> memref<10240x64xf32, #tpu.memory_space<vmem_shared>>
      tpu.wait_indirect_dma semaphore(%arg14 : memref<!tpu.dma_semaphore, #tpu.memory_space<semaphore_mem>>) src(%dma_wait3A_106 : memref<10240x64xf32, #tpu.memory_space<vmem_shared>>) dst(%arg10 : memref<128x64xf32, #tpu.memory_space<vmem>>)
      %add3A_107 = arith.constant 2 : i32
      %add3A_108 = arith.addi %mul3A_84, %add3A_107 : i32
      %dma_start3A_109 = arith.constant 0 : i32
      %dma_start3A_110 = tpu.memref_slice %arg7[%add3A_108, %dma_start3A_109] : memref<84x128xi32, #tpu.memory_space<vmem>> -> memref<1x128xi32, #tpu.memory_space<vmem>>
      %dma_start3A_111 = tpu.memref_squeeze %dma_start3A_110 : memref<1x128xi32, #tpu.memory_space<vmem>> -> memref<128xi32, #tpu.memory_space<vmem>>
      %dma_start3A_112 = arith.constant 0 : i32
      %dma_start3A_113 = arith.constant 0 : i32
      %dma_start3A_114 = tpu.memref_slice %arg11[%dma_start3A_112, %dma_start3A_113] : memref<10240x64xf32, #tpu.memory_space<vmem_shared>> -> memref<10240x64xf32, #tpu.memory_space<vmem_shared>>
      tpu.enqueue_indirect_dma source(%dma_start3A_114 : memref<10240x64xf32, #tpu.memory_space<vmem_shared>>) target(%arg9 : memref<128x64xf32, #tpu.memory_space<vmem>>) offsets(%dma_start3A_111 : memref<128xi32, #tpu.memory_space<vmem>>) semaphore(%arg13 : memref<!tpu.dma_semaphore, #tpu.memory_space<semaphore_mem>>)
      %add3A_115 = arith.constant 1 : i32
      %add3A_116 = arith.addi %mul3A_84, %add3A_115 : i32
      "tpu.region"() ({
        %run_scoped3A = tpu.sem_alloc : memref<!tpu.dma_semaphore, #tpu.memory_space<semaphore_mem>>
        %dma_start3A_117 = arith.constant 0 : i32
        %dma_start3A_118 = tpu.memref_slice %arg8[%add3A_116, %dma_start3A_117] : memref<80x128xi32, #tpu.memory_space<vmem>> -> memref<1x128xi32, #tpu.memory_space<vmem>>
        %dma_start3A_119 = tpu.memref_squeeze %dma_start3A_118 : memref<1x128xi32, #tpu.memory_space<vmem>> -> memref<128xi32, #tpu.memory_space<vmem>>
        %dma_start3A_120 = arith.constant 0 : i32
        %dma_start3A_121 = arith.constant 0 : i32
        %dma_start3A_122 = tpu.memref_slice %arg12[%dma_start3A_120, %dma_start3A_121] : memref<10240x64xf32, #tpu.memory_space<vmem_shared>> -> memref<10240x64xf32, #tpu.memory_space<vmem_shared>>
        tpu.enqueue_indirect_dma source(%arg10 : memref<128x64xf32, #tpu.memory_space<vmem>>) target(%dma_start3A_122 : memref<10240x64xf32, #tpu.memory_space<vmem_shared>>) offsets(%dma_start3A_119 : memref<128xi32, #tpu.memory_space<vmem>>) semaphore(%run_scoped3A : memref<!tpu.dma_semaphore, #tpu.memory_space<semaphore_mem>>) {add = true}
        %dma_wait3A_123 = arith.constant 0 : i32
        %dma_wait3A_124 = tpu.memref_slice %arg8[%add3A_116, %dma_wait3A_123] : memref<80x128xi32, #tpu.memory_space<vmem>> -> memref<1x128xi32, #tpu.memory_space<vmem>>
        %dma_wait3A_125 = tpu.memref_squeeze %dma_wait3A_124 : memref<1x128xi32, #tpu.memory_space<vmem>> -> memref<128xi32, #tpu.memory_space<vmem>>
        %dma_wait3A_126 = arith.constant 0 : i32
        %dma_wait3A_127 = arith.constant 0 : i32
        %dma_wait3A_128 = tpu.memref_slice %arg12[%dma_wait3A_126, %dma_wait3A_127] : memref<10240x64xf32, #tpu.memory_space<vmem_shared>> -> memref<10240x64xf32, #tpu.memory_space<vmem_shared>>
        tpu.wait_indirect_dma semaphore(%run_scoped3A : memref<!tpu.dma_semaphore, #tpu.memory_space<semaphore_mem>>) src(%arg10 : memref<128x64xf32, #tpu.memory_space<vmem>>) dst(%dma_wait3A_128 : memref<10240x64xf32, #tpu.memory_space<vmem_shared>>)
        tpu.yield
      }) : () -> ()
    }
    %scan3A_66 = arith.constant 40 : i32
    %dma_wait3A_67 = arith.constant 0 : i32
    %dma_wait3A_68 = arith.constant 0 : i32
    %dma_wait3A_69 = tpu.memref_slice %arg7[%dma_wait3A_67, %dma_wait3A_68] : memref<84x128xi32, #tpu.memory_space<vmem>> -> memref<1x128xi32, #tpu.memory_space<vmem>>
    %dma_wait3A_70 = tpu.memref_squeeze %dma_wait3A_69 : memref<1x128xi32, #tpu.memory_space<vmem>> -> memref<128xi32, #tpu.memory_space<vmem>>
    %dma_wait3A_71 = arith.constant 0 : i32
    %dma_wait3A_72 = arith.constant 0 : i32
    %dma_wait3A_73 = tpu.memref_slice %arg11[%dma_wait3A_71, %dma_wait3A_72] : memref<10240x64xf32, #tpu.memory_space<vmem_shared>> -> memref<10240x64xf32, #tpu.memory_space<vmem_shared>>
    tpu.wait_indirect_dma semaphore(%arg13 : memref<!tpu.dma_semaphore, #tpu.memory_space<semaphore_mem>>) src(%dma_wait3A_73 : memref<10240x64xf32, #tpu.memory_space<vmem_shared>>) dst(%arg9 : memref<128x64xf32, #tpu.memory_space<vmem>>)
    %barrier3A_74 = arith.constant 0 : index
    tpu.barrier barrier_id(%barrier3A_74)
    %mul3A_75 = arith.constant 640 : i32
    %mul3A_76 = arith.muli %arg1, %mul3A_75 : i32
    %mul3A_77 = arith.constant 10240 : i32
    %mul3A_78 = arith.muli %arg0, %mul3A_77 : i32
    %mul3A_79 = arith.constant 640 : i32
    %mul3A_80 = arith.muli %arg1, %mul3A_79 : i32
    %add3A_81 = arith.addi %mul3A_78, %mul3A_80 : i32
    "tpu.region"() ({
      %run_scoped3A = tpu.sem_alloc : memref<!tpu.dma_semaphore, #tpu.memory_space<semaphore_mem>>
      %dma_start3A_82 = arith.constant 0 : i32
      %dma_start3A_83 = tpu.memref_slice %arg6[%add3A_81, %dma_start3A_82] : memref<20480x64xf32, #tpu.memory_space<hbm>> -> memref<640x64xf32, #tpu.memory_space<hbm>>
      %dma_start3A_84 = arith.constant 0 : i32
      %dma_start3A_85 = tpu.memref_slice %arg12[%mul3A_76, %dma_start3A_84] : memref<10240x64xf32, #tpu.memory_space<vmem_shared>> -> memref<640x64xf32, #tpu.memory_space<vmem_shared>>
      tpu.enqueue_dma source(%dma_start3A_85 : memref<640x64xf32, #tpu.memory_space<vmem_shared>>) target(%dma_start3A_83 : memref<640x64xf32, #tpu.memory_space<hbm>>) target_semaphore(%run_scoped3A : memref<!tpu.dma_semaphore, #tpu.memory_space<semaphore_mem>>)
      %dma_wait3A_86 = arith.constant 0 : i32
      %dma_wait3A_87 = tpu.memref_slice %arg6[%add3A_81, %dma_wait3A_86] : memref<20480x64xf32, #tpu.memory_space<hbm>> -> memref<640x64xf32, #tpu.memory_space<hbm>>
      %dma_wait3A_88 = arith.constant 0 : i32
      %dma_wait3A_89 = tpu.memref_slice %arg12[%mul3A_76, %dma_wait3A_88] : memref<10240x64xf32, #tpu.memory_space<vmem_shared>> -> memref<640x64xf32, #tpu.memory_space<vmem_shared>>
      tpu.wait_dma2 semaphore(%run_scoped3A : memref<!tpu.dma_semaphore, #tpu.memory_space<semaphore_mem>>) src(%dma_wait3A_89 : memref<640x64xf32, #tpu.memory_space<vmem_shared>>) dst(%dma_wait3A_87 : memref<640x64xf32, #tpu.memory_space<hbm>>)
      tpu.yield
    }) : () -> ()
    return
  }
}

module attributes {stable_mosaic.version = 14 : i64} {
  func.func @_matmul1_body(%arg0: i32, %arg1: memref<2560x128xf32, #tpu.memory_space<vmem>>, %arg2: memref<128x64xf32, #tpu.memory_space<vmem>>, %arg3: memref<2560x64xf32, #tpu.memory_space<vmem>>) attributes {dimension_semantics = [#tpu.dimension_semantics<arbitrary>], iteration_bounds = array<i64: 4>, scalar_prefetch = 0 : i64, scratch_operands = 0 : i64, tpu.core_type = #tpu.core_type<tc>, window_params = [{transform_indices = @transform_0, window_bounds = array<i64: 2560, 128>}, {pipeline_mode = #tpu.pipeline_mode<synchronous>, transform_indices = @transform_1, window_bounds = array<i64: 128, 64>}, {transform_indices = @transform_2, window_bounds = array<i64: 2560, 64>}]} {
    %get3A = arith.constant 0 : index
    %get3A_0 = arith.constant 0 : index
    %get3A_1 = vector.load %arg1[%get3A, %get3A_0] : memref<2560x128xf32, #tpu.memory_space<vmem>>, vector<2560x128xf32>
    %get3A_2 = arith.constant 0 : index
    %get3A_3 = arith.constant 0 : index
    %get3A_4 = vector.load %arg2[%get3A_2, %get3A_3] : memref<128x64xf32, #tpu.memory_space<vmem>>, vector<128x64xf32>
    %dot_general3A = arith.constant dense<0.000000e+00> : vector<2560x64xf32>
    %dot_general3A_5 = tpu.matmul %get3A_1, %get3A_4, %dot_general3A {dimension_numbers = #tpu.dot_dimension_numbers<[1], [0], [0], [1], [0, 0, 1, 1], [], []>, transpose_lhs_hint = false} : vector<2560x128xf32>, vector<128x64xf32>, vector<2560x64xf32> -> vector<2560x64xf32>
    %swap3A = arith.constant 0 : index
    %swap3A_6 = arith.constant 0 : index
    %swap3A_7 = vector.load %arg3[%swap3A, %swap3A_6] : memref<2560x64xf32, #tpu.memory_space<vmem>>, vector<2560x64xf32>
    tpu.vector_store %arg3[%swap3A, %swap3A_6], %dot_general3A_5 {strides = array<i32>} : memref<2560x64xf32, #tpu.memory_space<vmem>>, vector<2560x64xf32>,
    return
  }
  func.func @transform_0(%arg0: i32) -> (i32, i32) {
    %c0_i32 = arith.constant 0 : i32
    %c0_i32_0 = arith.constant 0 : i32
    return %arg0, %c0_i32 : i32, i32
  }
  func.func @transform_1(%arg0: i32) -> (i32, i32) {
    %c0_i32 = arith.constant 0 : i32
    %c0_i32_0 = arith.constant 0 : i32
    %c0_i32_1 = arith.constant 0 : i32
    return %c0_i32, %c0_i32_0 : i32, i32
  }
  func.func @transform_2(%arg0: i32) -> (i32, i32) {
    %c0_i32 = arith.constant 0 : i32
    %c0_i32_0 = arith.constant 0 : i32
    return %arg0, %c0_i32 : i32, i32
  }
}

module attributes {stable_mosaic.version = 14 : i64} {
  func.func @_scale1_body(%arg0: i32, %arg1: memref<2560x64xf32, #tpu.memory_space<vmem>>, %arg2: memref<2560x16xf32, #tpu.memory_space<vmem>>, %arg3: memref<2560x16xf32, #tpu.memory_space<vmem>>, %arg4: memref<2560x64xf32, #tpu.memory_space<vmem>>, %arg5: memref<2560x1xf32, #tpu.memory_space<vmem>>) attributes {dimension_semantics = [#tpu.dimension_semantics<arbitrary>], iteration_bounds = array<i64: 4>, scalar_prefetch = 0 : i64, scratch_operands = 0 : i64, tpu.core_type = #tpu.core_type<tc>, window_params = [{transform_indices = @transform_0, window_bounds = array<i64: 2560, 64>}, {transform_indices = @transform_1, window_bounds = array<i64: 2560, 16>}, {transform_indices = @transform_2, window_bounds = array<i64: 2560, 16>}, {transform_indices = @transform_3, window_bounds = array<i64: 2560, 64>}, {transform_indices = @transform_4, window_bounds = array<i64: 2560, 1>}]} {
    %get3A = arith.constant 0 : index
    %get3A_0 = arith.constant 0 : index
    %get3A_1 = vector.load %arg2[%get3A, %get3A_0] : memref<2560x16xf32, #tpu.memory_space<vmem>>, vector<2560x1xf32>
    %get3A_2 = arith.constant 0 : index
    %get3A_3 = arith.constant 0 : index
    %get3A_4 = vector.load %arg3[%get3A_2, %get3A_3] : memref<2560x16xf32, #tpu.memory_space<vmem>>, vector<2560x1xf32>
    %add3A = arith.addf %get3A_1, %get3A_4 : vector<2560x1xf32>
    %add3A_5 = arith.constant 1.000000e+00 : f32
    %add3A_6 = vector.broadcast %add3A_5 : f32 to vector<2560x1xf32>
    %add3A_7 = arith.addf %add3A, %add3A_6 : vector<2560x1xf32>
    %rsqrt3A = math.rsqrt %add3A_7 : vector<2560x1xf32>
    %swap3A = arith.constant 0 : index
    %swap3A_8 = arith.constant 0 : index
    %swap3A_9 = vector.load %arg5[%swap3A, %swap3A_8] : memref<2560x1xf32, #tpu.memory_space<vmem>>, vector<2560x1xf32>
    tpu.vector_store %arg5[%swap3A, %swap3A_8], %rsqrt3A {strides = array<i32>} : memref<2560x1xf32, #tpu.memory_space<vmem>>, vector<2560x1xf32>,
    %get3A_10 = arith.constant 0 : index
    %get3A_11 = arith.constant 0 : index
    %get3A_12 = vector.load %arg1[%get3A_10, %get3A_11] : memref<2560x64xf32, #tpu.memory_space<vmem>>, vector<2560x64xf32>
    %mul3A = vector.broadcast %rsqrt3A : vector<2560x1xf32> to vector<2560x64xf32>
    %mul3A_13 = arith.mulf %get3A_12, %mul3A : vector<2560x64xf32>
    %swap3A_14 = arith.constant 0 : index
    %swap3A_15 = arith.constant 0 : index
    %swap3A_16 = vector.load %arg4[%swap3A_14, %swap3A_15] : memref<2560x64xf32, #tpu.memory_space<vmem>>, vector<2560x64xf32>
    tpu.vector_store %arg4[%swap3A_14, %swap3A_15], %mul3A_13 {strides = array<i32>} : memref<2560x64xf32, #tpu.memory_space<vmem>>, vector<2560x64xf32>,
    return
  }
  func.func @transform_0(%arg0: i32) -> (i32, i32) {
    %c0_i32 = arith.constant 0 : i32
    %c0_i32_0 = arith.constant 0 : i32
    return %arg0, %c0_i32 : i32, i32
  }
  func.func @transform_1(%arg0: i32) -> (i32, i32) {
    %c0_i32 = arith.constant 0 : i32
    %c0_i32_0 = arith.constant 0 : i32
    return %arg0, %c0_i32 : i32, i32
  }
  func.func @transform_2(%arg0: i32) -> (i32, i32) {
    %add3A = arith.constant 4 : i32
    %add3A_0 = arith.addi %add3A, %arg0 : i32
    %c0_i32 = arith.constant 0 : i32
    %c0_i32_1 = arith.constant 0 : i32
    return %add3A_0, %c0_i32 : i32, i32
  }
  func.func @transform_3(%arg0: i32) -> (i32, i32) {
    %c0_i32 = arith.constant 0 : i32
    %c0_i32_0 = arith.constant 0 : i32
    return %arg0, %c0_i32 : i32, i32
  }
  func.func @transform_4(%arg0: i32) -> (i32, i32) {
    %c0_i32 = arith.constant 0 : i32
    %c0_i32_0 = arith.constant 0 : i32
    return %arg0, %c0_i32 : i32, i32
  }
}

module attributes {stable_mosaic.version = 14 : i64} {
  func.func @_mid_body(%arg0: i32, %arg1: memref<2560x64xf32, #tpu.memory_space<vmem>>, %arg2: memref<2560x64xf32, #tpu.memory_space<vmem>>, %arg3: memref<2560x64xf32, #tpu.memory_space<vmem>>, %arg4: memref<2560x1xf32, #tpu.memory_space<vmem>>, %arg5: memref<1x64xf32, #tpu.memory_space<vmem>>, %arg6: memref<64x64xf32, #tpu.memory_space<vmem>>, %arg7: memref<2560x64xf32, #tpu.memory_space<vmem>>) attributes {dimension_semantics = [#tpu.dimension_semantics<arbitrary>], iteration_bounds = array<i64: 4>, scalar_prefetch = 0 : i64, scratch_operands = 0 : i64, tpu.core_type = #tpu.core_type<tc>, window_params = [{transform_indices = @transform_0, window_bounds = array<i64: 2560, 64>}, {transform_indices = @transform_1, window_bounds = array<i64: 2560, 64>}, {transform_indices = @transform_2, window_bounds = array<i64: 2560, 64>}, {transform_indices = @transform_3, window_bounds = array<i64: 2560, 1>}, {pipeline_mode = #tpu.pipeline_mode<synchronous>, transform_indices = @transform_4, window_bounds = array<i64: 1, 64>}, {pipeline_mode = #tpu.pipeline_mode<synchronous>, transform_indices = @transform_5, window_bounds = array<i64: 64, 64>}, {transform_indices = @transform_6, window_bounds = array<i64: 2560, 64>}]} {
    %get3A = arith.constant 0 : index
    %get3A_0 = arith.constant 0 : index
    %get3A_1 = vector.load %arg4[%get3A, %get3A_0] : memref<2560x1xf32, #tpu.memory_space<vmem>>, vector<2560x1xf32>
    %get3A_2 = arith.constant 0 : index
    %get3A_3 = arith.constant 0 : index
    %get3A_4 = vector.load %arg1[%get3A_2, %get3A_3] : memref<2560x64xf32, #tpu.memory_space<vmem>>, vector<2560x64xf32>
    %get3A_5 = arith.constant 0 : index
    %get3A_6 = arith.constant 0 : index
    %get3A_7 = vector.load %arg2[%get3A_5, %get3A_6] : memref<2560x64xf32, #tpu.memory_space<vmem>>, vector<2560x64xf32>
    %add3A = arith.addf %get3A_4, %get3A_7 : vector<2560x64xf32>
    %get3A_8 = arith.constant 0 : index
    %get3A_9 = arith.constant 0 : index
    %get3A_10 = vector.load %arg3[%get3A_8, %get3A_9] : memref<2560x64xf32, #tpu.memory_space<vmem>>, vector<2560x64xf32>
    %add3A_11 = arith.addf %add3A, %get3A_10 : vector<2560x64xf32>
    %mul3A = vector.broadcast %get3A_1 : vector<2560x1xf32> to vector<2560x64xf32>
    %mul3A_12 = arith.mulf %mul3A, %add3A_11 : vector<2560x64xf32>
    %get3A_13 = arith.constant 0 : index
    %get3A_14 = arith.constant 0 : index
    %get3A_15 = vector.load %arg5[%get3A_13, %get3A_14] : memref<1x64xf32, #tpu.memory_space<vmem>>, vector<1x64xf32>
    %add3A_16 = vector.broadcast %get3A_15 : vector<1x64xf32> to vector<2560x64xf32>
    %add3A_17 = arith.addf %mul3A_12, %add3A_16 : vector<2560x64xf32>
    %max3A = arith.constant 0.000000e+00 : f32
    %max3A_18 = vector.broadcast %max3A : f32 to vector<2560x64xf32>
    %max3A_19 = arith.maximumf %add3A_17, %max3A_18 : vector<2560x64xf32>
    %get3A_20 = arith.constant 0 : index
    %get3A_21 = arith.constant 0 : index
    %get3A_22 = vector.load %arg6[%get3A_20, %get3A_21] : memref<64x64xf32, #tpu.memory_space<vmem>>, vector<64x64xf32>
    %dot_general3A = arith.constant dense<0.000000e+00> : vector<2560x64xf32>
    %dot_general3A_23 = tpu.matmul %max3A_19, %get3A_22, %dot_general3A {dimension_numbers = #tpu.dot_dimension_numbers<[1], [0], [0], [1], [0, 0, 1, 1], [], []>, transpose_lhs_hint = false} : vector<2560x64xf32>, vector<64x64xf32>, vector<2560x64xf32> -> vector<2560x64xf32>
    %mul3A_24 = vector.broadcast %get3A_1 : vector<2560x1xf32> to vector<2560x64xf32>
    %mul3A_25 = arith.mulf %dot_general3A_23, %mul3A_24 : vector<2560x64xf32>
    %swap3A = arith.constant 0 : index
    %swap3A_26 = arith.constant 0 : index
    %swap3A_27 = vector.load %arg7[%swap3A, %swap3A_26] : memref<2560x64xf32, #tpu.memory_space<vmem>>, vector<2560x64xf32>
    tpu.vector_store %arg7[%swap3A, %swap3A_26], %mul3A_25 {strides = array<i32>} : memref<2560x64xf32, #tpu.memory_space<vmem>>, vector<2560x64xf32>,
    return
  }
  func.func @transform_0(%arg0: i32) -> (i32, i32) {
    %c0_i32 = arith.constant 0 : i32
    %c0_i32_0 = arith.constant 0 : i32
    return %arg0, %c0_i32 : i32, i32
  }
  func.func @transform_1(%arg0: i32) -> (i32, i32) {
    %add3A = arith.constant 4 : i32
    %add3A_0 = arith.addi %add3A, %arg0 : i32
    %c0_i32 = arith.constant 0 : i32
    %c0_i32_1 = arith.constant 0 : i32
    return %add3A_0, %c0_i32 : i32, i32
  }
  func.func @transform_2(%arg0: i32) -> (i32, i32) {
    %c0_i32 = arith.constant 0 : i32
    %c0_i32_0 = arith.constant 0 : i32
    return %arg0, %c0_i32 : i32, i32
  }
  func.func @transform_3(%arg0: i32) -> (i32, i32) {
    %c0_i32 = arith.constant 0 : i32
    %c0_i32_0 = arith.constant 0 : i32
    return %arg0, %c0_i32 : i32, i32
  }
  func.func @transform_4(%arg0: i32) -> (i32, i32) {
    %c0_i32 = arith.constant 0 : i32
    %c0_i32_0 = arith.constant 0 : i32
    %c0_i32_1 = arith.constant 0 : i32
    return %c0_i32, %c0_i32_0 : i32, i32
  }
  func.func @transform_5(%arg0: i32) -> (i32, i32) {
    %c0_i32 = arith.constant 0 : i32
    %c0_i32_0 = arith.constant 0 : i32
    %c0_i32_1 = arith.constant 0 : i32
    return %c0_i32, %c0_i32_0 : i32, i32
  }
  func.func @transform_6(%arg0: i32) -> (i32, i32) {
    %c0_i32 = arith.constant 0 : i32
    %c0_i32_0 = arith.constant 0 : i32
    return %arg0, %c0_i32 : i32, i32
  }
}

module attributes {stable_mosaic.version = 14 : i64} {
  func.func @_final_body(%arg0: i32, %arg1: memref<2560x64xf32, #tpu.memory_space<vmem>>, %arg2: memref<2560x64xf32, #tpu.memory_space<vmem>>, %arg3: memref<2560x64xf32, #tpu.memory_space<vmem>>, %arg4: memref<2560x1xf32, #tpu.memory_space<vmem>>, %arg5: memref<1x64xf32, #tpu.memory_space<vmem>>, %arg6: memref<2560x1xi32, #tpu.memory_space<vmem>>, %arg7: memref<64x32xf32, #tpu.memory_space<vmem>>, %arg8: memref<1x32xf32, #tpu.memory_space<vmem>>, %arg9: memref<32x1xf32, #tpu.memory_space<vmem>>, %arg10: memref<1x1xf32, #tpu.memory_space<vmem>>, %arg11: memref<64x1xf32, #tpu.memory_space<vmem>>, %arg12: memref<64x64xf32, #tpu.memory_space<vmem>>) attributes {dimension_semantics = [#tpu.dimension_semantics<arbitrary>], iteration_bounds = array<i64: 4>, scalar_prefetch = 0 : i64, scratch_operands = 1 : i64, tpu.core_type = #tpu.core_type<tc>, window_params = [{transform_indices = @transform_0, window_bounds = array<i64: 2560, 64>}, {transform_indices = @transform_1, window_bounds = array<i64: 2560, 64>}, {transform_indices = @transform_2, window_bounds = array<i64: 2560, 64>}, {transform_indices = @transform_3, window_bounds = array<i64: 2560, 1>}, {pipeline_mode = #tpu.pipeline_mode<synchronous>, transform_indices = @transform_4, window_bounds = array<i64: 1, 64>}, {transform_indices = @transform_5, window_bounds = array<i64: 2560, 1>}, {pipeline_mode = #tpu.pipeline_mode<synchronous>, transform_indices = @transform_6, window_bounds = array<i64: 64, 32>}, {pipeline_mode = #tpu.pipeline_mode<synchronous>, transform_indices = @transform_7, window_bounds = array<i64: 1, 32>}, {pipeline_mode = #tpu.pipeline_mode<synchronous>, transform_indices = @transform_8, window_bounds = array<i64: 32, 1>}, {pipeline_mode = #tpu.pipeline_mode<synchronous>, transform_indices = @transform_9, window_bounds = array<i64: 1, 1>}, {pipeline_mode = #tpu.pipeline_mode<synchronous>, transform_indices = @transform_10, window_bounds = array<i64: 64, 1>}]} {
    %eq3A = arith.constant 0 : i32
    %eq3A_0 = arith.cmpi eq, %arg0, %eq3A : i32
    %convert_element_type3A = arith.extui %eq3A_0 : i1 to i32
    %cond3A = arith.constant 0 : i32
    %cond3A_1 = arith.cmpi ne, %convert_element_type3A, %cond3A : i32
    scf.if %cond3A_1 {
      %broadcast_in_dim3A = arith.constant 0.000000e+00 : f32
      %broadcast_in_dim3A_39 = vector.broadcast %broadcast_in_dim3A : f32 to vector<64x64xf32>
      %swap3A_40 = arith.constant 0 : index
      %swap3A_41 = arith.constant 0 : index
      %swap3A_42 = vector.load %arg12[%swap3A_40, %swap3A_41] : memref<64x64xf32, #tpu.memory_space<vmem>>, vector<64x64xf32>
      tpu.vector_store %arg12[%swap3A_40, %swap3A_41], %broadcast_in_dim3A_39 {strides = array<i32>} : memref<64x64xf32, #tpu.memory_space<vmem>>, vector<64x64xf32>,
    } else {
    }
    %get3A = arith.constant 0 : index
    %get3A_2 = arith.constant 0 : index
    %get3A_3 = vector.load %arg4[%get3A, %get3A_2] : memref<2560x1xf32, #tpu.memory_space<vmem>>, vector<2560x1xf32>
    %get3A_4 = arith.constant 0 : index
    %get3A_5 = arith.constant 0 : index
    %get3A_6 = vector.load %arg1[%get3A_4, %get3A_5] : memref<2560x64xf32, #tpu.memory_space<vmem>>, vector<2560x64xf32>
    %get3A_7 = arith.constant 0 : index
    %get3A_8 = arith.constant 0 : index
    %get3A_9 = vector.load %arg2[%get3A_7, %get3A_8] : memref<2560x64xf32, #tpu.memory_space<vmem>>, vector<2560x64xf32>
    %add3A = arith.addf %get3A_6, %get3A_9 : vector<2560x64xf32>
    %get3A_10 = arith.constant 0 : index
    %get3A_11 = arith.constant 0 : index
    %get3A_12 = vector.load %arg3[%get3A_10, %get3A_11] : memref<2560x64xf32, #tpu.memory_space<vmem>>, vector<2560x64xf32>
    %add3A_13 = arith.addf %add3A, %get3A_12 : vector<2560x64xf32>
    %mul3A = vector.broadcast %get3A_3 : vector<2560x1xf32> to vector<2560x64xf32>
    %mul3A_14 = arith.mulf %mul3A, %add3A_13 : vector<2560x64xf32>
    %get3A_15 = arith.constant 0 : index
    %get3A_16 = arith.constant 0 : index
    %get3A_17 = vector.load %arg5[%get3A_15, %get3A_16] : memref<1x64xf32, #tpu.memory_space<vmem>>, vector<1x64xf32>
    %add3A_18 = vector.broadcast %get3A_17 : vector<1x64xf32> to vector<2560x64xf32>
    %add3A_19 = arith.addf %mul3A_14, %add3A_18 : vector<2560x64xf32>
    %get3A_20 = arith.constant 0 : index
    %get3A_21 = arith.constant 0 : index
    %get3A_22 = vector.load %arg6[%get3A_20, %get3A_21] : memref<2560x1xi32, #tpu.memory_space<vmem>>, vector<2560x1xi32>
    %iota3A = tpu.iota {dimensions = array<i32: 1>} : vector<2560x64xi32>
    %eq3A_23 = vector.broadcast %get3A_22 : vector<2560x1xi32> to vector<2560x64xi32>
    %eq3A_24 = arith.cmpi eq, %eq3A_23, %iota3A : vector<2560x64xi32>
    %convert_element_type3A_25 = arith.extui %eq3A_24 : vector<2560x64xi1> to vector<2560x64xi32>
    %convert_element_type3A_26 = arith.sitofp %convert_element_type3A_25 : vector<2560x64xi32> to vector<2560x64xf32>
    %get3A_27 = arith.constant 0 : index
    %get3A_28 = arith.constant 0 : index
    %get3A_29 = vector.load %arg12[%get3A_27, %get3A_28] : memref<64x64xf32, #tpu.memory_space<vmem>>, vector<64x64xf32>
    %dot_general3A = arith.constant dense<0.000000e+00> : vector<64x64xf32>
    %dot_general3A_30 = tpu.matmul %convert_element_type3A_26, %add3A_19, %dot_general3A {dimension_numbers = #tpu.dot_dimension_numbers<[0], [0], [1], [1], [0, 1, 1, 1], [], []>, transpose_lhs_hint = false} : vector<2560x64xf32>, vector<2560x64xf32>, vector<64x64xf32> -> vector<64x64xf32>
    %add3A_31 = arith.addf %get3A_29, %dot_general3A_30 : vector<64x64xf32>
    %swap3A = arith.constant 0 : index
    %swap3A_32 = arith.constant 0 : index
    %swap3A_33 = vector.load %arg12[%swap3A, %swap3A_32] : memref<64x64xf32, #tpu.memory_space<vmem>>, vector<64x64xf32>
    tpu.vector_store %arg12[%swap3A, %swap3A_32], %add3A_31 {strides = array<i32>} : memref<64x64xf32, #tpu.memory_space<vmem>>, vector<64x64xf32>,
    %eq3A_34 = arith.constant 3 : i32
    %eq3A_35 = arith.cmpi eq, %arg0, %eq3A_34 : i32
    %convert_element_type3A_36 = arith.extui %eq3A_35 : i1 to i32
    %cond3A_37 = arith.constant 0 : i32
    %cond3A_38 = arith.cmpi ne, %convert_element_type3A_36, %cond3A_37 : i32
    scf.if %cond3A_38 {
      %get3A_39 = arith.constant 0 : index
      %get3A_40 = arith.constant 0 : index
      %get3A_41 = vector.load %arg12[%get3A_39, %get3A_40] : memref<64x64xf32, #tpu.memory_space<vmem>>, vector<64x64xf32>
      %get3A_42 = arith.constant 0 : index
      %get3A_43 = arith.constant 0 : index
      %get3A_44 = vector.load %arg7[%get3A_42, %get3A_43] : memref<64x32xf32, #tpu.memory_space<vmem>>, vector<64x32xf32>
      %dot_general3A_45 = arith.constant dense<0.000000e+00> : vector<64x32xf32>
      %dot_general3A_46 = tpu.matmul %get3A_41, %get3A_44, %dot_general3A_45 {dimension_numbers = #tpu.dot_dimension_numbers<[1], [0], [0], [1], [0, 0, 1, 1], [], []>, transpose_lhs_hint = false} : vector<64x64xf32>, vector<64x32xf32>, vector<64x32xf32> -> vector<64x32xf32>
      %get3A_47 = arith.constant 0 : index
      %get3A_48 = arith.constant 0 : index
      %get3A_49 = vector.load %arg8[%get3A_47, %get3A_48] : memref<1x32xf32, #tpu.memory_space<vmem>>, vector<1x32xf32>
      %add3A_50 = vector.broadcast %get3A_49 : vector<1x32xf32> to vector<64x32xf32>
      %add3A_51 = arith.addf %dot_general3A_46, %add3A_50 : vector<64x32xf32>
      %max3A = arith.constant 0.000000e+00 : f32
      %max3A_52 = vector.broadcast %max3A : f32 to vector<64x32xf32>
      %max3A_53 = arith.maximumf %add3A_51, %max3A_52 : vector<64x32xf32>
      %get3A_54 = arith.constant 0 : index
      %get3A_55 = arith.constant 0 : index
      %get3A_56 = vector.load %arg9[%get3A_54, %get3A_55] : memref<32x1xf32, #tpu.memory_space<vmem>>, vector<32x1xf32>
      %dot_general3A_57 = arith.constant dense<0.000000e+00> : vector<64x1xf32>
      %dot_general3A_58 = tpu.matmul %max3A_53, %get3A_56, %dot_general3A_57 {dimension_numbers = #tpu.dot_dimension_numbers<[1], [0], [0], [1], [0, 0, 1, 1], [], []>, transpose_lhs_hint = false} : vector<64x32xf32>, vector<32x1xf32>, vector<64x1xf32> -> vector<64x1xf32>
      %get3A_59 = arith.constant 0 : index
      %get3A_60 = arith.constant 0 : index
      %get3A_61 = vector.load %arg10[%get3A_59, %get3A_60] : memref<1x1xf32, #tpu.memory_space<vmem>>, vector<1x1xf32>
      %add3A_62 = vector.broadcast %get3A_61 : vector<1x1xf32> to vector<64x1xf32>
      %add3A_63 = arith.addf %dot_general3A_58, %add3A_62 : vector<64x1xf32>
      %swap3A_64 = arith.constant 0 : index
      %swap3A_65 = arith.constant 0 : index
      %swap3A_66 = vector.load %arg11[%swap3A_64, %swap3A_65] : memref<64x1xf32, #tpu.memory_space<vmem>>, vector<64x1xf32>
      tpu.vector_store %arg11[%swap3A_64, %swap3A_65], %add3A_63 {strides = array<i32>} : memref<64x1xf32, #tpu.memory_space<vmem>>, vector<64x1xf32>,
    } else {
    }
    return
  }
  func.func @transform_0(%arg0: i32) -> (i32, i32) {
    %c0_i32 = arith.constant 0 : i32
    %c0_i32_0 = arith.constant 0 : i32
    return %arg0, %c0_i32 : i32, i32
  }
  func.func @transform_1(%arg0: i32) -> (i32, i32) {
    %add3A = arith.constant 4 : i32
    %add3A_0 = arith.addi %add3A, %arg0 : i32
    %c0_i32 = arith.constant 0 : i32
    %c0_i32_1 = arith.constant 0 : i32
    return %add3A_0, %c0_i32 : i32, i32
  }
  func.func @transform_2(%arg0: i32) -> (i32, i32) {
    %c0_i32 = arith.constant 0 : i32
    %c0_i32_0 = arith.constant 0 : i32
    return %arg0, %c0_i32 : i32, i32
  }
  func.func @transform_3(%arg0: i32) -> (i32, i32) {
    %c0_i32 = arith.constant 0 : i32
    %c0_i32_0 = arith.constant 0 : i32
    return %arg0, %c0_i32 : i32, i32
  }
  func.func @transform_4(%arg0: i32) -> (i32, i32) {
    %c0_i32 = arith.constant 0 : i32
    %c0_i32_0 = arith.constant 0 : i32
    %c0_i32_1 = arith.constant 0 : i32
    return %c0_i32, %c0_i32_0 : i32, i32
  }
  func.func @transform_5(%arg0: i32) -> (i32, i32) {
    %c0_i32 = arith.constant 0 : i32
    %c0_i32_0 = arith.constant 0 : i32
    return %arg0, %c0_i32 : i32, i32
  }
  func.func @transform_6(%arg0: i32) -> (i32, i32) {
    %c0_i32 = arith.constant 0 : i32
    %c0_i32_0 = arith.constant 0 : i32
    %c0_i32_1 = arith.constant 0 : i32
    return %c0_i32, %c0_i32_0 : i32, i32
  }
  func.func @transform_7(%arg0: i32) -> (i32, i32) {
    %c0_i32 = arith.constant 0 : i32
    %c0_i32_0 = arith.constant 0 : i32
    %c0_i32_1 = arith.constant 0 : i32
    return %c0_i32, %c0_i32_0 : i32, i32
  }
  func.func @transform_8(%arg0: i32) -> (i32, i32) {
    %c0_i32 = arith.constant 0 : i32
    %c0_i32_0 = arith.constant 0 : i32
    %c0_i32_1 = arith.constant 0 : i32
    return %c0_i32, %c0_i32_0 : i32, i32
  }
  func.func @transform_9(%arg0: i32) -> (i32, i32) {
    %c0_i32 = arith.constant 0 : i32
    %c0_i32_0 = arith.constant 0 : i32
    %c0_i32_1 = arith.constant 0 : i32
    return %c0_i32, %c0_i32_0 : i32, i32
  }
  func.func @transform_10(%arg0: i32) -> (i32, i32) {
    %c0_i32 = arith.constant 0 : i32
    %c0_i32_0 = arith.constant 0 : i32
    %c0_i32_1 = arith.constant 0 : i32
    return %c0_i32, %c0_i32_0 : i32, i32
  }
}

</mosaic_0001>

<sc_bundles>
// kernel: kernel.11.cloned.1.call-start
scs
__scs_entry_jumppad:
0x0: {  	(pc) =	sbr.rel $0x88, $3  }
0x1: {  	(tag) =	ssettag $0x0;
	lr =	simm.s32 $0x1  }
0x2: {  	[smem:$0x3F94] =	sst lr;
	_ =	strace $0xD0000000  }
0x3: {  	_ = 	snop  }
0x4: {  	_ = 	snop  }
0x5: {  	_ = 	snop  }
0x6: {  	_ = 	snop  }
0x7: {  	_ = 	snop  }
__scs_overlays_trampoline_lowered:
0x8: {  	[smem:$0x3FA3] =	sst s0  }
0x9: {  	[smem:$0x3FA4] =	sst s1  }
0xa: {  	[smem:$0x3FA5] =	sst s2  }
0xb: {  	[smem:$0x3FA6] =	sst s3  }
0xc: {  	[smem:$0x3FA7] =	sst s4  }
0xd: {  	[smem:$0x3FA8] =	sst s5  }
0xe: {  	[smem:$0x3FA9] =	sst s6  }
0xf: {  	[smem:$0x3FAA] =	sst s7  }
0x10: {  	[smem:$0x3FAB] =	sst s8  }
0x11: {  	[smem:$0x3FAC] =	sst s9;
	s0 =	simm.s32 @!p0 $0x0  }
0x12: {  	s1 =	sld [smem:$0x3F92];
	s0 =	simm.s32 @p0 $0x1  }
0x13: {  	[smem:$0x3FAD] =	sst s0;
	s0 =	simm.s32 @!p1 $0x0  }
0x14: {  	s2 =	sld [smem:$0x3F91];
	s0 =	simm.s32 @p1 $0x1  }
0x15: {  	[smem:$0x3FAE] =	sst s0;
	s0 =	simm.s32 @!p2 $0x0  }
0x16: {  	s3 =	sld [smem:$0x3FDB];
	s0 =	simm.s32 @p2 $0x1  }
0x17: {  	s4 =	simm.s32 $0x1BF5;
	[smem:$0x3FB0] =	sst s0  }
0x18: {  	s0 =	sld [smem:$0x3F93];
	_ =	swait.ge [sflag:s4], $0x0  }
0x19: {  	s7 =	sld [smem:$0x3F94]  }
0x1a: {  	s8 =	sadd.s32 $0xFFFFE003, lr  }
0x1b: {  	s9 =	sadd.s32 $0xFFFFFEF7, lr;
	s5 =	simm.s32 $0xFFFFFFFF;
	p2 =	slt.u32 s8, $0xFFFFF086  }
0x1c: {  	p1 =	slt.u32 s9, $0xF7A;
	s5 =	simm.s32 @!p2 $0x0  }
0x1d: {  	s5 =	simm.s32 @p1 $0x1;
	p0 =	seq.s32 s7, s2  }
0x1e: {  	s7 =	smul.u32 @!p0 $0xF7A, s2;
	p2 =	seq.s32 @!p0 s5, $0x0  }
0x1f: {  	s9 =	smul.u32 $0xF7A, s1;
	s8 =	simm.s32 @!p0 $0x1BF5;
	p2 =	por !p2, p0  }
0x20: {  	[sflag:s8] =	ssyncset.s32 @!p0 $0xFFFFF086;
	s6 =	sadd.s32 @!p0 s3, s7;
	s7 =	simm.s32 @!p0 $0x108  }
0x21: {  	s3 =	sadd.s32 s3, s9;
	s6 =	sadd.s32 @!p0 $0x88, s6;
	s7 =	simm.s32 @p2 $0x1082  }
0x22: {  	[simem:s7], [sflag:s8] =	dma.local @!p0 [hbm:s6], $0xF7A  }
0x23: {  	s9 =	sor.u32 $0xD0000000, s2;
	s6 =	simm.s32 $0x108;
	_ =	swait.ge @!p0 [sflag:s8], $0x0  }
0x24: {  	s3 =	sadd.s32 $0x88, s3;
	s6 =	simm.s32 @!p1 $0x1082;
	[sflag:s4] =	ssyncset.s32 $0xFFFFF086  }
0x25: {  	[simem:s6], [sflag:s4] =	dma.local [hbm:s3], $0xF7A  }
0x26: {  	[smem:$0x3F94] =	sst s1;
	(tag) =	ssettag s2;
	_ =	strace s9  }
0x27: {  	s1 =	sld [smem:$0x3FA4]  }
0x28: {  	s2 =	sld [smem:$0x3FA5]  }
0x29: {  	s4 =	sld [smem:$0x3FA7]  }
0x2a: {  	p0 =	seq.s32 s5, $0x0;
	s5 =	sld [smem:$0x3FA8]  }
0x2b: {  	s6 =	sld [smem:$0x3FA9]  }
0x2c: {  	s7 =	sld [smem:$0x3FAA]  }
0x2d: {  	s3 =	simm.s32 $0x108;
	s8 =	sld [smem:$0x3FAB]  }
0x2e: {  	s3 =	simm.s32 @!p0 $0x1082;
	s9 =	sld [smem:$0x3FAC]  }
0x2f: {  	lr =	sadd.s32 s0, s3;
	s0 =	sld [smem:$0x3FA3]  }
0x30: {  	s3 =	sld [smem:$0x3FA6]  }
0x31: {  	[smem:$0x3FAF] =	sst s10  }
0x32: {  	s10 =	sld [smem:$0x3FAD];
	_ =	sdelay $0x3  }
0x33: {  	p0 =	seq.s32 s10, $0x1;
	s10 =	sld [smem:$0x3FAF];
	_ =	sdelay $0x3  }
0x34: {  	[smem:$0x3FAF] =	sst s10  }
0x35: {  	s10 =	sld [smem:$0x3FAE];
	_ =	sdelay $0x3  }
0x36: {  	p1 =	seq.s32 s10, $0x1;
	s10 =	sld [smem:$0x3FAF];
	_ =	sdelay $0x3  }
0x37: {  	[smem:$0x3FAF] =	sst s10  }
0x38: {  	s10 =	sld [smem:$0x3FB0]  }
0x39: {  	_ = 	snop;
	(pc) =	sbr.ind lr, $3  }
0x3a: {  	_ = 	snop  }
0x3b: {  	_ = 	snop  }
0x3c: {  	p2 =	seq.s32 s10, $0x1;
	s10 =	sld [smem:$0x3FAF]  }
0x3d: {  	_ =	shalt  }
0x3e: {  	_ =	shalt  }
0x3f: {  	_ =	shalt  }
0x40: {  	_ =	shalt  }
0x41: {  	_ =	shalt  }
0x42: {  	_ =	shalt  }
0x43: {  	_ =	shalt  }
0x44: {  	_ =	shalt  }
0x45: {  	_ =	shalt  }
0x46: {  	_ =	shalt  }
0x47: {  	_ =	shalt  }
0x48: {  	_ =	shalt  }
0x49: {  	_ =	shalt  }
0x4a: {  	_ =	shalt  }
0x4b: {  	_ =	shalt  }
0x4c: {  	_ =	shalt  }
0x4d: {  	_ =	shalt  }
0x4e: {  	_ =	shalt  }
0x4f: {  	_ =	shalt  }
0x50: {  	_ =	shalt  }
0x51: {  	_ =	shalt  }
0x52: {  	_ =	shalt  }
0x53: {  	_ =	shalt  }
0x54: {  	_ =	shalt  }
0x55: {  	_ =	shalt  }
0x56: {  	_ =	shalt  }
0x57: {  	_ =	shalt  }
0x58: {  	_ =	shalt  }
0x59: {  	_ =	shalt  }
0x5a: {  	_ =	shalt  }
0x5b: {  	_ =	shalt  }
0x5c: {  	_ =	shalt  }
0x5d: {  	_ =	shalt  }
0x5e: {  	_ =	shalt  }
0x5f: {  	_ =	shalt  }
0x60: {  	_ =	shalt  }
0x61: {  	_ =	shalt  }
0x62: {  	_ =	shalt  }
0x63: {  	_ =	shalt  }
0x64: {  	_ =	shalt  }
0x65: {  	_ =	shalt  }
0x66: {  	_ =	shalt  }
0x67: {  	_ =	shalt  }
0x68: {  	_ =	shalt  }
0x69: {  	_ =	shalt  }
0x6a: {  	_ =	shalt  }
0x6b: {  	_ =	shalt  }
0x6c: {  	_ =	shalt  }
0x6d: {  	_ =	shalt  }
0x6e: {  	_ =	shalt  }
0x6f: {  	_ =	shalt  }
0x70: {  	_ =	shalt  }
0x71: {  	_ =	shalt  }
0x72: {  	_ =	shalt  }
0x73: {  	_ =	shalt  }
0x74: {  	_ =	shalt  }
0x75: {  	_ =	shalt  }
0x76: {  	_ =	shalt  }
0x77: {  	_ =	shalt  }
0x78: {  	_ =	shalt  }
0x79: {  	_ =	shalt  }
0x7a: {  	_ =	shalt  }
0x7b: {  	_ =	shalt  }
0x7c: {  	_ =	shalt  }
0x7d: {  	_ =	shalt  }
0x7e: {  	_ =	shalt  }
0x7f: {  	_ =	shalt  }
0x80: {  	_ =	shalt  }
0x81: {  	_ =	shalt  }
0x82: {  	_ =	shalt  }
0x83: {  	_ =	shalt  }
0x84: {  	_ =	shalt  }
0x85: {  	_ =	shalt  }
0x86: {  	_ =	shalt  }
0x87: {  	_ =	shalt  }
.Lfunc_end0:
.L_simem_size_0:
called_computation_lowered:
.L_overlay_start_0:
0x88: {  	s2 =	sld [smem:$0x3FD9]  }
0x89: {  	s3 =	sld [smem:$0x3FFE];
	_ =	sdelay $0x1  }
0x8a: {  	s1 =	srdreg.scid  }
0x8b: {  	s0 =	sand.u32 $0x1, s1  }
0x8c: {  	s16 =	sshll.u32 s0, $0xA;
	s2 =	sadd.s32 s3, s2  }
0x8d: {  	s2 =	sadd.s32 s2, s16  }
0x8e: {  	[smem:$0x3FBB] =	sst s2  }
0x8f: {  	_ = 	snop  }
0x90: {  	(tm) =	ssettm $0x1  }
0x91: {  	s17 =	sld [smem:$0x3FFB];
	_ =	sdelay $0x3  }
0x92: {  	_ =	strace s17  }
0x93: {  	s2 =	sld [smem:$0x3FFC];
	_ =	sdelay $0x3  }
0x94: {  	_ =	strace s2  }
0x95: {  	s2 =	sld [smem:$0x3FFD];
	_ =	sdelay $0x3  }
0x96: {  	_ =	strace s2  }
0x97: {  	_ =	strace $0x8FFFFFFF  }
0x98: {  	s18 =	sld [smem:$0x3FDB];
	_ =	sdelay $0x1  }
0x99: {  	s19 =	simm.s32 $_scs_section_size  }
0x9a: {  	s4 =	simm.s32 $_size__tile_overlayer_lowered;
	s5 =	simm.s32 $_tile_overlayer_lowered  }
0x9b: {  	s22 =	simm.s32 $0x1BFF;
	s21 =	sshll.u32 s5, $0x1;
	s2 =	sadd.s32 s19, s18  }
0x9c: {  	s6 =	simm.s32 $0x0;
	s20 =	sshll.u32 s4, $0x1;
	s4 =	sadd.s32 s21, s2  }
0x9d: {  	[timem:s6], [sflag:s22] =	dma.local [hbm:s4], s20  }
0x9e: {  	_ =	swait.ge [sflag:s22], s20  }
0x9f: {  	s3 =	ssub.s32 $0x0, s20;
	[sflag:s22] =	ssyncset.done $0x0  }
0xa0: {  	[sflag:s22] =	ssyncadd.s32 s3;
	_ =	sdelay $0x1  }
0xa1: {  	s23 =	simm.s32 $0x1B8B  }
0xa2: {  	_ =	swait.ge [sflag:s23], $0x1  }
0xa3: {  	[sflag:s23] =	ssyncset.done $0x0  }
0xa4: {  	s25 =	simm.s32 $0x1B8E;
	s24 =	sld [smem:$0x3FFE];
	[sflag:s23] =	ssyncadd.s32 $0xFFFFFFFF  }
0xa5: {  	s26 =	simm.s32 $execute0_lowered;
	[smem:$0x3FD2] =	sst s25  }
0xa6: {  	s4 =	sshll.u32 s26, $0x1;
	_ =	strace $0x80000046;
	[dreg:$0x1] =	wrdreg $0xFFFFFFFF  }
0xa7: {  	s28 =	simm.s32 $_size_execute0_lowered;
	s2 =	sadd.s32 s2, s4;
	[dreg:$0x0] =	wrdreg $0x0  }
0xa8: {  	s4 =	sshll.u32 s28, $0x1;
	[dreg:$0x2] =	wrdreg s2  }
0xa9: {  	[dreg:$0x3] =	wrdreg s4  }
0xaa: {  	[dreg:$0x4] =	wrdreg $0xC0  }
0xab: {  	_ =	task [dreg:s6], $0x5FFFF  }
0xac: {  	[dreg:$0x1] =	wrdreg $0xFFFFFFFF  }
0xad: {  	[dreg:$0x0] =	wrdreg $0x60  }
0xae: {  	[dreg:$0x2] =	wrdreg s24  }
0xaf: {  	[dreg:$0x3] =	wrdreg $0x30000  }
0xb0: {  	[dreg:$0x4] =	wrdreg $0x9  }
0xb1: {  	_ =	task.clear_ibuf [dreg:s6], $0x5FFFF;
	_ =	strace $0x90000046  }
0xb2: {  	s29 =	simm.s32 $0x9;
	_ =	strace $0x80000048  }
0xb3: {  	_ =	swait.ge [sflag:s29], $0x1  }
0xb4: {  	[sflag:s29] =	ssyncadd.s32 $0xFFFFFFFF  }
0xb5: {  	_ =	strace $0x90000048  }
0xb6: {  	_ =	sfence  }
0xb7: {  	s30 =	sld [smem:$0x0];
	_ =	sdelay $0x2  }
0xb8: {  	s31 =	sshll.u32 s1, $0xD;
	s1 =	sshrl.u32 s1, $0x2  }
0xb9: {  	s3 =	sand.u32 $0x4000, s31;
	s1 =	sadd.s32 s1, s30  }
0xba: {  	s0 =	sor.u32 s3, s0;
	s1 =	sshll.u32 s1, $0x11  }
0xbb: {  	s0 =	sor.u32 s1, s0  }
0xbc: {  	s0 =	sadd.s32 $0x8F2B, s0  }
0xbd: {  	[sflag:s0] =	ssyncadd.remote.s32 $0x1  }
0xbe: {  	_ =	sfence.sel $0xFFFF  }
0xbf: {  	[dreg:$0x0] =	wrdreg $0xFFFFFFFF;
	(pc) =	sbr.abs _section_cstart, $3  }
0xc0: {  	[dreg:$0x1] =	wrdreg $0xFFFFFFFF  }
0xc1: {  	_ =	task.clear_ibuf [dreg:s6], $0x2FFFF;
	_ =	strace $0x9FFFFFFF  }
0xc2: {  	(tm) =	ssettm $0x7FFFFFFF  }
0xc3: {  	_ =	shalt  }
tec
execute0_lowered:
.L_overlay_start_1:
0x0: {  	(tag) =	ssettag $0x1  }
0x1: {  	s1 =	srdreg.scid;
	s6 =	rddreg [dreg:$0x0]  }
0x2: {  	s0 =	stileid.u32;
	s2 =	rddreg [dreg:$0x1];
	s3 =	simm.s32 $0x0  }
0x3: {  	s13 =	simm.s32 $0x80;
	s14 =	simm.s32 $0x1;
	s15 =	simm.s32 $0x2  }
0x4: {  	s16 =	simm.s32 $0x2780;
	s17 =	simm.s32 $0x0;
	s7 =	sand.u32 $0x1, s1  }
0x5: {  	s26 =	sshll.u32 s0, $0x1;
	s1 =	rddreg [dreg:$0x2];
	s8 =	smul.u32 $0x500, s0  }
0x6: {  	[smem:$0x7FF] =	sst s3;
	s11 =	smul.u32 $0xA000, s0;
	s5 =	sadd.s32 $0xD000, s6  }
0x7: {  	s31 =	sshll.u32 s0, $0x6;
	s4 =	sor.u32 s7, s26;
	s9 =	smul.u32 $0x5000, s7  }
0x8: {  	_ =	strace $0x80000047;
	s7 =	ssub.s32 $0x2, s7;
	s4 =	smul.u32 $0x500, s4  }
0x9: {  	s28 =	sshrl.u32 s7, $0x1;
	s29 =	sshrl.u32 s11, $0x2;
	s11 =	sor.u32 $0x1C03, s31  }
0xa: {  	s8 =	sadd.s32 s8, s9;
	s30 =	ssub.s32 s7, s28;
	s12 =	sadd.s32 s29, s2  }
0xb: {  	s9 =	simm.s32 $0x3;
	s10 =	sadd.s32 s4, s6;
	s4 =	sadd.s32 $0xD600, s6  }
0xc: {  	s8 =	sadd.s32 s8, s6;
	s12 =	sshrl.u32 s12, $0x3;
	s6 =	sadd.s32 $0x3000, s10  }
0xd: {  	s7 =	sadd.s32 $0xD800, s8;
	s8 =	smax.u32 s30, $0x1;
	s10 =	simm.s32 $0x2800  }
.LBB2_1:
0xe: {  	[tilespmem:s3], [sflag:$0x3] =	stream.linear.gather [hbm4b:s6+s3], $0x2800, $0x38;
	[tilespmem:$0x5800] =	vst v63  }
0xf: {  	_ =	swait.ge [sflag:s9], $0x2800  }
0x10: {  	[sflag:s9] =	ssyncset.done $0x0  }
0x11: {  	[sflag:s9] =	ssyncadd.s32 $0xFFFFD800  }
0x12: {  	[tilespmem:s10], [sflag:$0x3] =	stream.linear.gather [hbm4b:s4+s3], $0x800, $0x38;
	[tilespmem:$0x5800] =	vst v63  }
0x13: {  	_ =	swait.ge [sflag:s9], $0x800  }
0x14: {  	[sflag:s9] =	ssyncset.done $0x0  }
0x15: {  	[sflag:s9] =	ssyncadd.s32 $0xFFFFF800  }
0x16: {  	[spmem:s12], [sflag:s11] =	dma.local [hbm:s5], $0x500  }
0x17: {  	_ =	swait.ge [sflag:s9], $0x500  }
0x18: {  	[sflag:s9] =	ssyncset.done $0x0  }
0x19: {  	[sflag:s9] =	ssyncadd.s32 $0xFFFFFB00  }
0x1a: {  	[bflag:$0x0] =	sbarrier.arrive $0xFFFF  }
0x1b: {  	[spmem:s2] =	stream.indirect.scatter.add.f32 [tilespmem:s10], [sflag:$0x1], $0x10, s3, s13, $0xb8;
	[tilespmem:$0x5800] =	vst v63  }
0x1c: {  	s18 =	simm.s32 $0x80  }
0x1d: {  	[spmem:s2] =	stream.indirect.scatter.add.f32 [tilespmem:s10], [sflag:$0x2], $0x10, s18, s13, $0xb8;
	[tilespmem:$0x5800] =	vst v63  }
0x1e: {  	_ =	swait.ge [sflag:s14], $0x800  }
0x1f: {  	[sflag:s14] =	ssyncset.done $0x0  }
0x20: {  	s31 =	simm.s32 $0x100;
	[sflag:s14] =	ssyncadd.s32 $0xFFFFF800  }
0x21: {  	[spmem:s2] =	stream.indirect.scatter.add.f32 [tilespmem:s10], [sflag:$0x1], $0x10, s31, s13, $0xb8;
	[tilespmem:$0x5800] =	vst v63  }
0x22: {  	_ =	swait.ge [sflag:s15], $0x800  }
0x23: {  	s19 =	simm.s32 $0xFFFF6C00;
	s18 =	simm.s32 $0xFFFFDA00;
	[sflag:s15] =	ssyncset.done $0x0  }
.LBB2_2:
0x24: {  	s20 =	sadd.s32 $0x2780, s18  }
0x25: {  	[sflag:s15] =	ssyncadd.s32 $0xFFFFF800;
	s21 =	smov.u32 s19;
	s22 =	sadd.s32 $0x400, s19  }
0x26: {  	[spmem:s2] =	stream.indirect.scatter.add.f32 [tilespmem:s10], [sflag:$0x2], $0x10, s20, s13, $0xb8;
	[tilespmem:$0x5800] =	vst v63  }
0x27: {  	p0 =	sne.s32 s19, $0xFFFFFC00;
	_ =	swait.ge [sflag:s14], $0x800  }
.Ltmp0:
0x28: {  	[sflag:s14] =	ssyncset.done $0x0;
	(pc) =	sbr.rel @p0 .LBB2_2-.Ltmp0, $4  }
0x29: {  	s18 =	sadd.s32 $0x2800, s18;
	[sflag:s14] =	ssyncadd.s32 $0xFFFFF800  }
0x2a: {  	[spmem:s2] =	stream.indirect.scatter.add.f32 [tilespmem:s10], [sflag:$0x1], $0x10, s18, s13, $0xb8;
	[tilespmem:$0x5800] =	vst v63  }
0x2b: {  	_ =	swait.ge [sflag:s15], $0x800  }
0x2c: {  	s19 =	smov.u32 s22;
	s18 =	sshra.s32 s21, $0x2;
	[sflag:s15] =	ssyncset.done $0x0  }
0x2d: {  	s19 =	sadd.s32 $0x2780, s18;
	[sflag:s15] =	ssyncadd.s32 $0xFFFFF800  }
0x2e: {  	[spmem:s2] =	stream.indirect.scatter.add.f32 [tilespmem:s10], [sflag:$0x2], $0x10, s19, s13, $0xb8;
	[tilespmem:$0x5800] =	vst v63  }
0x2f: {  	_ =	swait.ge [sflag:s14], $0x800  }
0x30: {  	[sflag:s14] =	ssyncset.done $0x0  }
0x31: {  	s31 =	sadd.s32 $0x2800, s18;
	[sflag:s14] =	ssyncadd.s32 $0xFFFFF800  }
0x32: {  	[spmem:s2] =	stream.indirect.scatter.add.f32 [tilespmem:s10], [sflag:$0x1], $0x10, s31, s13, $0xb8;
	[tilespmem:$0x5800] =	vst v63  }
0x33: {  	_ =	swait.ge [sflag:s15], $0x800  }
0x34: {  	[sflag:s15] =	ssyncset.done $0x0  }
0x35: {  	[sflag:s15] =	ssyncadd.s32 $0xFFFFF800  }
0x36: {  	[spmem:s2] =	stream.indirect.scatter.add.f32 [tilespmem:s10], [sflag:$0x2], $0x10, s16, s13, $0xb8;
	[tilespmem:$0x5800] =	vst v63  }
0x37: {  	_ =	swait.ge [sflag:s14], $0x800  }
0x38: {  	[sflag:s14] =	ssyncset.done $0x0  }
0x39: {  	[sflag:s14] =	ssyncadd.s32 $0xFFFFF800  }
0x3a: {  	_ =	swait.ge [sflag:s15], $0x800  }
0x3b: {  	s17 =	sadd.s32 $0x1, s17;
	[sflag:s15] =	ssyncset.done $0x0  }
0x3c: {  	p0 =	sne.s32 s17, s8;
	[sflag:s15] =	ssyncadd.s32 $0xFFFFF800  }
.Ltmp1:
0x3d: {  	[bflag:$0x0] =	sbarrier.arrive $0xFFFF;
	(pc) =	sbr.rel @p0 .LBB2_1-.Ltmp1, $4  }
0x3e: {  	[hbm:s7], [sflag:s11] =	dma.local [spmem:s12], $0x500  }
0x3f: {  	_ =	swait.ge [sflag:s9], $0x500  }
0x40: {  	[sflag:s9] =	ssyncset.done $0x0  }
0x41: {  	[sflag:s9] =	ssyncadd.s32 $0xFFFFFB00  }
0x42: {  	_ =	sfence.sel $0x180000  }
0x43: {  	[bflag:$0x0] =	sbarrier.arrive $0xFFFF  }
0x44: {  	p0 =	sne.s32 s0, $0x0;
	_ =	strace $0x90000047  }
0x45: {  	s0 =	sadd.s32 @!p0 $0x100000, s1;
	[bflag:$0x2] =	sbarrier.arrive $0xFFFF  }
0x46: {  	[sflag:s0] =	ssyncadd.tile.s32 @!p0 $0x1;
	_ =	shalt  }
.Lfunc_end2:
_tile_overlayer_lowered:
.L_overlay_start_2:
0x47: {  	(tag) =	ssettag $0x2  }
0x48: {  	s0 =	rddreg [dreg:$0x0];
	s2 =	stileid.u32  }
0x49: {  	s1 =	rddreg [dreg:$0x1];
	p0 =	sne.s32 s2, $0x0  }
0x4a: {  	s3 =	rddreg [dreg:$0x2];
	[bflag:$0x3] =	sbarrier.arrive $0xFFFF;
	s2 =	simm.s32 @!p0 $0x1C03  }
0x4b: {  	[timem:s3], [sflag:s2] =	dma.local @!p0 [hbm:s0], s1  }
0x4c: {  	s0 =	simm.s32 @!p0 $0x3  }
0x4d: {  	_ =	swait.ge @!p0 [sflag:s0], s1  }
0x4e: {  	s1 =	ssub.s32 @!p0 $0x0, s1;
	[sflag:s0] =	ssyncset.done @!p0 $0x0  }
0x4f: {  	[sflag:s0] =	ssyncadd.s32 @!p0 s1  }
0x50: {  	[bflag:$0x3] =	sbarrier.arrive $0xFFFF  }
0x51: {  	_ =	shalt  }

// kernel: kernel.14.cloned.1.call-start
scs
__scs_entry_jumppad:
0x0: {  	(pc) =	sbr.rel $0x88, $3  }
0x1: {  	(tag) =	ssettag $0x0;
	lr =	simm.s32 $0x1  }
0x2: {  	[smem:$0x3F94] =	sst lr;
	_ =	strace $0xD0000000  }
0x3: {  	_ = 	snop  }
0x4: {  	_ = 	snop  }
0x5: {  	_ = 	snop  }
0x6: {  	_ = 	snop  }
0x7: {  	_ = 	snop  }
__scs_overlays_trampoline_lowered:
0x8: {  	[smem:$0x3FA3] =	sst s0  }
0x9: {  	[smem:$0x3FA4] =	sst s1  }
0xa: {  	[smem:$0x3FA5] =	sst s2  }
0xb: {  	[smem:$0x3FA6] =	sst s3  }
0xc: {  	[smem:$0x3FA7] =	sst s4  }
0xd: {  	[smem:$0x3FA8] =	sst s5  }
0xe: {  	[smem:$0x3FA9] =	sst s6  }
0xf: {  	[smem:$0x3FAA] =	sst s7  }
0x10: {  	[smem:$0x3FAB] =	sst s8  }
0x11: {  	[smem:$0x3FAC] =	sst s9;
	s0 =	simm.s32 @!p0 $0x0  }
0x12: {  	s1 =	sld [smem:$0x3F92];
	s0 =	simm.s32 @p0 $0x1  }
0x13: {  	[smem:$0x3FAD] =	sst s0;
	s0 =	simm.s32 @!p1 $0x0  }
0x14: {  	s2 =	sld [smem:$0x3F91];
	s0 =	simm.s32 @p1 $0x1  }
0x15: {  	[smem:$0x3FAE] =	sst s0;
	s0 =	simm.s32 @!p2 $0x0  }
0x16: {  	s3 =	sld [smem:$0x3FDB];
	s0 =	simm.s32 @p2 $0x1  }
0x17: {  	s4 =	simm.s32 $0x1BF5;
	[smem:$0x3FB0] =	sst s0  }
0x18: {  	s0 =	sld [smem:$0x3F93];
	_ =	swait.ge [sflag:s4], $0x0  }
0x19: {  	s7 =	sld [smem:$0x3F94]  }
0x1a: {  	s8 =	sadd.s32 $0xFFFFE003, lr  }
0x1b: {  	s9 =	sadd.s32 $0xFFFFFEF7, lr;
	s5 =	simm.s32 $0xFFFFFFFF;
	p2 =	slt.u32 s8, $0xFFFFF086  }
0x1c: {  	p1 =	slt.u32 s9, $0xF7A;
	s5 =	simm.s32 @!p2 $0x0  }
0x1d: {  	s5 =	simm.s32 @p1 $0x1;
	p0 =	seq.s32 s7, s2  }
0x1e: {  	s7 =	smul.u32 @!p0 $0xF7A, s2;
	p2 =	seq.s32 @!p0 s5, $0x0  }
0x1f: {  	s9 =	smul.u32 $0xF7A, s1;
	s8 =	simm.s32 @!p0 $0x1BF5;
	p2 =	por !p2, p0  }
0x20: {  	[sflag:s8] =	ssyncset.s32 @!p0 $0xFFFFF086;
	s6 =	sadd.s32 @!p0 s3, s7;
	s7 =	simm.s32 @!p0 $0x108  }
0x21: {  	s3 =	sadd.s32 s3, s9;
	s6 =	sadd.s32 @!p0 $0x88, s6;
	s7 =	simm.s32 @p2 $0x1082  }
0x22: {  	[simem:s7], [sflag:s8] =	dma.local @!p0 [hbm:s6], $0xF7A  }
0x23: {  	s9 =	sor.u32 $0xD0000000, s2;
	s6 =	simm.s32 $0x108;
	_ =	swait.ge @!p0 [sflag:s8], $0x0  }
0x24: {  	s3 =	sadd.s32 $0x88, s3;
	s6 =	simm.s32 @!p1 $0x1082;
	[sflag:s4] =	ssyncset.s32 $0xFFFFF086  }
0x25: {  	[simem:s6], [sflag:s4] =	dma.local [hbm:s3], $0xF7A  }
0x26: {  	[smem:$0x3F94] =	sst s1;
	(tag) =	ssettag s2;
	_ =	strace s9  }
0x27: {  	s1 =	sld [smem:$0x3FA4]  }
0x28: {  	s2 =	sld [smem:$0x3FA5]  }
0x29: {  	s4 =	sld [smem:$0x3FA7]  }
0x2a: {  	p0 =	seq.s32 s5, $0x0;
	s5 =	sld [smem:$0x3FA8]  }
0x2b: {  	s6 =	sld [smem:$0x3FA9]  }
0x2c: {  	s7 =	sld [smem:$0x3FAA]  }
0x2d: {  	s3 =	simm.s32 $0x108;
	s8 =	sld [smem:$0x3FAB]  }
0x2e: {  	s3 =	simm.s32 @!p0 $0x1082;
	s9 =	sld [smem:$0x3FAC]  }
0x2f: {  	lr =	sadd.s32 s0, s3;
	s0 =	sld [smem:$0x3FA3]  }
0x30: {  	s3 =	sld [smem:$0x3FA6]  }
0x31: {  	[smem:$0x3FAF] =	sst s10  }
0x32: {  	s10 =	sld [smem:$0x3FAD];
	_ =	sdelay $0x3  }
0x33: {  	p0 =	seq.s32 s10, $0x1;
	s10 =	sld [smem:$0x3FAF];
	_ =	sdelay $0x3  }
0x34: {  	[smem:$0x3FAF] =	sst s10  }
0x35: {  	s10 =	sld [smem:$0x3FAE];
	_ =	sdelay $0x3  }
0x36: {  	p1 =	seq.s32 s10, $0x1;
	s10 =	sld [smem:$0x3FAF];
	_ =	sdelay $0x3  }
0x37: {  	[smem:$0x3FAF] =	sst s10  }
0x38: {  	s10 =	sld [smem:$0x3FB0]  }
0x39: {  	_ = 	snop;
	(pc) =	sbr.ind lr, $3  }
0x3a: {  	_ = 	snop  }
0x3b: {  	_ = 	snop  }
0x3c: {  	p2 =	seq.s32 s10, $0x1;
	s10 =	sld [smem:$0x3FAF]  }
0x3d: {  	_ =	shalt  }
0x3e: {  	_ =	shalt  }
0x3f: {  	_ =	shalt  }
0x40: {  	_ =	shalt  }
0x41: {  	_ =	shalt  }
0x42: {  	_ =	shalt  }
0x43: {  	_ =	shalt  }
0x44: {  	_ =	shalt  }
0x45: {  	_ =	shalt  }
0x46: {  	_ =	shalt  }
0x47: {  	_ =	shalt  }
0x48: {  	_ =	shalt  }
0x49: {  	_ =	shalt  }
0x4a: {  	_ =	shalt  }
0x4b: {  	_ =	shalt  }
0x4c: {  	_ =	shalt  }
0x4d: {  	_ =	shalt  }
0x4e: {  	_ =	shalt  }
0x4f: {  	_ =	shalt  }
0x50: {  	_ =	shalt  }
0x51: {  	_ =	shalt  }
0x52: {  	_ =	shalt  }
0x53: {  	_ =	shalt  }
0x54: {  	_ =	shalt  }
0x55: {  	_ =	shalt  }
0x56: {  	_ =	shalt  }
0x57: {  	_ =	shalt  }
0x58: {  	_ =	shalt  }
0x59: {  	_ =	shalt  }
0x5a: {  	_ =	shalt  }
0x5b: {  	_ =	shalt  }
0x5c: {  	_ =	shalt  }
0x5d: {  	_ =	shalt  }
0x5e: {  	_ =	shalt  }
0x5f: {  	_ =	shalt  }
0x60: {  	_ =	shalt  }
0x61: {  	_ =	shalt  }
0x62: {  	_ =	shalt  }
0x63: {  	_ =	shalt  }
0x64: {  	_ =	shalt  }
0x65: {  	_ =	shalt  }
0x66: {  	_ =	shalt  }
0x67: {  	_ =	shalt  }
0x68: {  	_ =	shalt  }
0x69: {  	_ =	shalt  }
0x6a: {  	_ =	shalt  }
0x6b: {  	_ =	shalt  }
0x6c: {  	_ =	shalt  }
0x6d: {  	_ =	shalt  }
0x6e: {  	_ =	shalt  }
0x6f: {  	_ =	shalt  }
0x70: {  	_ =	shalt  }
0x71: {  	_ =	shalt  }
0x72: {  	_ =	shalt  }
0x73: {  	_ =	shalt  }
0x74: {  	_ =	shalt  }
0x75: {  	_ =	shalt  }
0x76: {  	_ =	shalt  }
0x77: {  	_ =	shalt  }
0x78: {  	_ =	shalt  }
0x79: {  	_ =	shalt  }
0x7a: {  	_ =	shalt  }
0x7b: {  	_ =	shalt  }
0x7c: {  	_ =	shalt  }
0x7d: {  	_ =	shalt  }
0x7e: {  	_ =	shalt  }
0x7f: {  	_ =	shalt  }
0x80: {  	_ =	shalt  }
0x81: {  	_ =	shalt  }
0x82: {  	_ =	shalt  }
0x83: {  	_ =	shalt  }
0x84: {  	_ =	shalt  }
0x85: {  	_ =	shalt  }
0x86: {  	_ =	shalt  }
0x87: {  	_ =	shalt  }
.Lfunc_end0:
.L_simem_size_0:
called_computation.1_lowered:
.L_overlay_start_0:
0x88: {  	s2 =	sld [smem:$0x3FD9]  }
0x89: {  	s3 =	sld [smem:$0x3FFE];
	_ =	sdelay $0x1  }
0x8a: {  	s1 =	srdreg.scid  }
0x8b: {  	s0 =	sand.u32 $0x1, s1  }
0x8c: {  	s16 =	sshll.u32 s0, $0xA;
	s2 =	sadd.s32 s3, s2  }
0x8d: {  	s2 =	sadd.s32 s2, s16  }
0x8e: {  	[smem:$0x3FBB] =	sst s2  }
0x8f: {  	_ = 	snop  }
0x90: {  	(tm) =	ssettm $0x1  }
0x91: {  	s17 =	sld [smem:$0x3FFB];
	_ =	sdelay $0x3  }
0x92: {  	_ =	strace s17  }
0x93: {  	s2 =	sld [smem:$0x3FFC];
	_ =	sdelay $0x3  }
0x94: {  	_ =	strace s2  }
0x95: {  	s2 =	sld [smem:$0x3FFD];
	_ =	sdelay $0x3  }
0x96: {  	_ =	strace s2  }
0x97: {  	_ =	strace $0x8FFFFFFF  }
0x98: {  	s18 =	sld [smem:$0x3FDB];
	_ =	sdelay $0x1  }
0x99: {  	s19 =	simm.s32 $_scs_section_size  }
0x9a: {  	s4 =	simm.s32 $_size__tile_overlayer_lowered;
	s5 =	simm.s32 $_tile_overlayer_lowered  }
0x9b: {  	s22 =	simm.s32 $0x1BFF;
	s21 =	sshll.u32 s5, $0x1;
	s2 =	sadd.s32 s19, s18  }
0x9c: {  	s6 =	simm.s32 $0x0;
	s20 =	sshll.u32 s4, $0x1;
	s4 =	sadd.s32 s21, s2  }
0x9d: {  	[timem:s6], [sflag:s22] =	dma.local [hbm:s4], s20  }
0x9e: {  	_ =	swait.ge [sflag:s22], s20  }
0x9f: {  	s3 =	ssub.s32 $0x0, s20;
	[sflag:s22] =	ssyncset.done $0x0  }
0xa0: {  	[sflag:s22] =	ssyncadd.s32 s3;
	_ =	sdelay $0x1  }
0xa1: {  	s23 =	simm.s32 $0x1B8B  }
0xa2: {  	_ =	swait.ge [sflag:s23], $0x1  }
0xa3: {  	[sflag:s23] =	ssyncset.done $0x0  }
0xa4: {  	s25 =	simm.s32 $0x1B8E;
	s24 =	sld [smem:$0x3FFE];
	[sflag:s23] =	ssyncadd.s32 $0xFFFFFFFF  }
0xa5: {  	s26 =	simm.s32 $execute0_lowered;
	[smem:$0x3FD2] =	sst s25  }
0xa6: {  	s4 =	sshll.u32 s26, $0x1;
	_ =	strace $0x80000049;
	[dreg:$0x1] =	wrdreg $0xFFFFFFFF  }
0xa7: {  	s28 =	simm.s32 $_size_execute0_lowered;
	s2 =	sadd.s32 s2, s4;
	[dreg:$0x0] =	wrdreg $0x0  }
0xa8: {  	s4 =	sshll.u32 s28, $0x1;
	[dreg:$0x2] =	wrdreg s2  }
0xa9: {  	[dreg:$0x3] =	wrdreg s4  }
0xaa: {  	[dreg:$0x4] =	wrdreg $0xC0  }
0xab: {  	_ =	task [dreg:s6], $0x5FFFF  }
0xac: {  	[dreg:$0x1] =	wrdreg $0xFFFFFFFF  }
0xad: {  	[dreg:$0x0] =	wrdreg $0x60  }
0xae: {  	[dreg:$0x2] =	wrdreg s24  }
0xaf: {  	[dreg:$0x3] =	wrdreg $0x92000  }
0xb0: {  	[dreg:$0x4] =	wrdreg $0x132000  }
0xb1: {  	[dreg:$0x5] =	wrdreg $0x9  }
0xb2: {  	_ =	task.clear_ibuf [dreg:s6], $0x6FFFF;
	_ =	strace $0x90000049  }
0xb3: {  	s29 =	simm.s32 $0x9;
	_ =	strace $0x8000004B  }
0xb4: {  	_ =	swait.ge [sflag:s29], $0x1  }
0xb5: {  	[sflag:s29] =	ssyncadd.s32 $0xFFFFFFFF  }
0xb6: {  	_ =	strace $0x9000004B  }
0xb7: {  	_ =	sfence  }
0xb8: {  	s30 =	sld [smem:$0x0];
	_ =	sdelay $0x2  }
0xb9: {  	s31 =	sshll.u32 s1, $0xD;
	s1 =	sshrl.u32 s1, $0x2  }
0xba: {  	s3 =	sand.u32 $0x4000, s31;
	s1 =	sadd.s32 s1, s30  }
0xbb: {  	s0 =	sor.u32 s3, s0;
	s1 =	sshll.u32 s1, $0x11  }
0xbc: {  	s0 =	sor.u32 s1, s0  }
0xbd: {  	s0 =	sadd.s32 $0x8F2B, s0  }
0xbe: {  	[sflag:s0] =	ssyncadd.remote.s32 $0x1  }
0xbf: {  	_ =	sfence.sel $0xFFFF  }
0xc0: {  	[dreg:$0x0] =	wrdreg $0xFFFFFFFF;
	(pc) =	sbr.abs _section_cstart, $3  }
0xc1: {  	[dreg:$0x1] =	wrdreg $0xFFFFFFFF  }
0xc2: {  	_ =	task.clear_ibuf [dreg:s6], $0x2FFFF;
	_ =	strace $0x9FFFFFFF  }
0xc3: {  	(tm) =	ssettm $0x7FFFFFFF  }
tec
execute0_lowered:
.L_overlay_start_1:
0x0: {  	(tag) =	ssettag $0x1  }
0x1: {  	s6 =	rddreg [dreg:$0x0]  }
0x2: {  	s0 =	stileid.u32;
	s2 =	rddreg [dreg:$0x1]  }
0x3: {  	s1 =	srdreg.scid;
	s3 =	rddreg [dreg:$0x2]  }
0x4: {  	s4 =	simm.s32 $0x0;
	s16 =	simm.s32 $0x1;
	s17 =	simm.s32 $0x2  }
0x5: {  	s18 =	simm.s32 $0x3;
	s19 =	simm.s32 $0x4;
	s20 =	simm.s32 $0x80  }
0x6: {  	s21 =	simm.s32 $0x5200;
	s22 =	simm.s32 $0x7200;
	s23 =	simm.s32 $0x5  }
0x7: {  	s25 =	simm.s32 $0x0;
	s5 =	sand.u32 $0x1, s1;
	s10 =	smul.u32 $0xA000, s0  }
0x8: {  	s29 =	sshll.u32 s0, $0x1;
	s9 =	smul.u32 $0x1400, s0;
	[smem:$0x7FF] =	sst s4  }
0x9: {  	s24 =	sshll.u32 s0, $0x6;
	s1 =	sor.u32 s5, s29;
	s12 =	smul.u32 $0x14000, s5  }
0xa: {  	s30 =	ssub.s32 $0x2, s5;
	s5 =	sadd.s32 $0xD000, s6;
	s7 =	smul.u32 $0x540, s1  }
0xb: {  	s8 =	smul.u32 $0x500, s1;
	s1 =	rddreg [dreg:$0x3];
	s11 =	sshrl.u32 s10, $0x3  }
0xc: {  	_ =	strace $0x8000004A;
	s31 =	sshrl.u32 s30, $0x1;
	s14 =	sadd.s32 s10, s2  }
0xd: {  	s15 =	sadd.s32 s10, s3;
	s11 =	sadd.s32 s11, s6;
	s9 =	sadd.s32 s9, s12  }
0xe: {  	s12 =	ssub.s32 s30, s31;
	s15 =	sshrl.u32 s15, $0x3;
	s7 =	sadd.s32 s7, s6  }
0xf: {  	s8 =	sadd.s32 s8, s6;
	s13 =	sadd.s32 s9, s6;
	s9 =	sor.u32 $0x1C03, s24  }
0x10: {  	s6 =	sadd.s32 $0x17800, s7;
	s7 =	sadd.s32 $0x3000, s8;
	s8 =	sadd.s32 $0x22000, s11  }
0x11: {  	s10 =	sadd.s32 $0x36000, s13;
	s11 =	smax.u32 s12, $0x1;
	s12 =	simm.s32 $0x2A00  }
0x12: {  	s13 =	sshrl.u32 s14, $0x3;
	s14 =	sor.u32 $0x1C04, s24;
	s24 =	sor.u32 $0x1C05, s24  }
.LBB2_1:
0x13: {  	[tilespmem:s4], [sflag:$0x1] =	stream.linear.gather [hbm4b:s6+s4], $0x2A00, $0x38;
	[tilespmem:$0x1D200] =	vst v63  }
0x14: {  	_ = 	snop  }
0x15: {  	[tilespmem:s12], [sflag:$0x2] =	stream.linear.gather [hbm4b:s7+s4], $0x2800, $0x38;
	[tilespmem:$0x1D200] =	vst v63  }
0x16: {  	[spmem:s13], [sflag:s9] =	dma.local [hbm:s8], $0x1400  }
0x17: {  	[spmem:s15], [sflag:s14] =	dma.local [hbm:s5], $0x1400  }
0x18: {  	_ =	swait.ge [sflag:s16], $0x2A00  }
0x19: {  	[sflag:s16] =	ssyncset.done $0x0  }
0x1a: {  	[sflag:s16] =	ssyncadd.s32 $0xFFFFD600  }
0x1b: {  	_ =	swait.ge [sflag:s17], $0x2800  }
0x1c: {  	[sflag:s17] =	ssyncset.done $0x0  }
0x1d: {  	[sflag:s17] =	ssyncadd.s32 $0xFFFFD800  }
0x1e: {  	_ =	swait.ge [sflag:s18], $0x1400  }
0x1f: {  	[sflag:s18] =	ssyncset.done $0x0  }
0x20: {  	[sflag:s18] =	ssyncadd.s32 $0xFFFFEC00  }
0x21: {  	_ =	swait.ge [sflag:s19], $0x1400  }
0x22: {  	[sflag:s19] =	ssyncset.done $0x0  }
0x23: {  	[sflag:s19] =	ssyncadd.s32 $0xFFFFEC00  }
0x24: {  	[bflag:$0x0] =	sbarrier.arrive $0xFFFF  }
0x25: {  	[tilespmem:s21], [sflag:$0x1] =	stream.indirect.gather [spmem:s2], $0x40, s4, s20, $0xb8;
	[tilespmem:$0x1D200] =	vst v63  }
0x26: {  	_ =	swait.ge [sflag:s16], $0x2000  }
0x27: {  	[sflag:s16] =	ssyncset.done $0x0  }
0x28: {  	s26 =	simm.s32 $0x80;
	[sflag:s16] =	ssyncadd.s32 $0xFFFFE000  }
0x29: {  	[tilespmem:s22], [sflag:$0x2] =	stream.indirect.gather [spmem:s2], $0x40, s26, s20, $0xb8;
	[tilespmem:$0x1D200] =	vst v63  }
0x2a: {  	s29 =	simm.s32 $0x2A00  }
0x2b: {  	[spmem:s3] =	stream.indirect.scatter.add.f32 [tilespmem:s21], [sflag:$0x5], $0x40, s29, s20, $0xb8;
	[tilespmem:$0x1D200] =	vst v63  }
0x2c: {  	_ =	swait.ge [sflag:s23], $0x2000  }
0x2d: {  	[sflag:s23] =	ssyncset.done $0x0  }
0x2e: {  	[sflag:s23] =	ssyncadd.s32 $0xFFFFE000  }
0x2f: {  	_ =	swait.ge [sflag:s17], $0x2000  }
0x30: {  	[sflag:s17] =	ssyncset.done $0x0  }
0x31: {  	s30 =	simm.s32 $0x100;
	[sflag:s17] =	ssyncadd.s32 $0xFFFFE000  }
0x32: {  	[tilespmem:s21], [sflag:$0x1] =	stream.indirect.gather [spmem:s2], $0x40, s30, s20, $0xb8;
	[tilespmem:$0x1D200] =	vst v63  }
0x33: {  	s31 =	simm.s32 $0x2A80  }
0x34: {  	[spmem:s3] =	stream.indirect.scatter.add.f32 [tilespmem:s22], [sflag:$0x5], $0x40, s31, s20, $0xb8;
	[tilespmem:$0x1D200] =	vst v63  }
0x35: {  	_ =	swait.ge [sflag:s23], $0x2000  }
0x36: {  	s26 =	simm.s32 $0x400;
	[sflag:s23] =	ssyncset.done $0x0  }
.LBB2_2:
0x37: {  	p0 =	sne.s32 s26, $0x9C00  }
0x38: {  	[sflag:s23] =	ssyncadd.s32 $0xFFFFE000;
	s28 =	smov.u32 s26;
	s26 =	sadd.s32 $0x400, s26  }
0x39: {  	_ = 	snop  }
0x3a: {  	_ =	swait.ge [sflag:s16], $0x2000  }
0x3b: {  	s28 =	sshra.s32 s28, $0x2;
	[sflag:s16] =	ssyncset.done $0x0  }
0x3c: {  	s29 =	sadd.s32 $0x80, s28;
	[sflag:s16] =	ssyncadd.s32 $0xFFFFE000  }
0x3d: {  	[tilespmem:s22], [sflag:$0x2] =	stream.indirect.gather [spmem:s2], $0x40, s29, s20, $0xb8;
	[tilespmem:$0x1D200] =	vst v63  }
0x3e: {  	s29 =	sadd.s32 $0x2A00, s28  }
0x3f: {  	[spmem:s3] =	stream.indirect.scatter.add.f32 [tilespmem:s21], [sflag:$0x5], $0x40, s29, s20, $0xb8;
	[tilespmem:$0x1D200] =	vst v63  }
0x40: {  	_ =	swait.ge [sflag:s23], $0x2000  }
0x41: {  	[sflag:s23] =	ssyncset.done $0x0  }
0x42: {  	[sflag:s23] =	ssyncadd.s32 $0xFFFFE000  }
0x43: {  	_ =	swait.ge [sflag:s17], $0x2000  }
0x44: {  	[sflag:s17] =	ssyncset.done $0x0  }
0x45: {  	s29 =	sadd.s32 $0x100, s28;
	[sflag:s17] =	ssyncadd.s32 $0xFFFFE000  }
0x46: {  	[tilespmem:s21], [sflag:$0x1] =	stream.indirect.gather [spmem:s2], $0x40, s29, s20, $0xb8;
	[tilespmem:$0x1D200] =	vst v63  }
.Ltmp0:
0x47: {  	_ = 	snop;
	(pc) =	sbr.rel @p0 .LBB2_2-.Ltmp0, $4  }
0x48: {  	s28 =	sadd.s32 $0x2A80, s28  }
0x49: {  	[spmem:s3] =	stream.indirect.scatter.add.f32 [tilespmem:s22], [sflag:$0x5], $0x40, s28, s20, $0xb8;
	[tilespmem:$0x1D200] =	vst v63  }
0x4a: {  	_ =	swait.ge [sflag:s23], $0x2000  }
0x4b: {  	[sflag:s23] =	ssyncset.done $0x0  }
0x4c: {  	[sflag:s23] =	ssyncadd.s32 $0xFFFFE000  }
0x4d: {  	_ =	swait.ge [sflag:s16], $0x2000  }
0x4e: {  	s25 =	sadd.s32 $0x1, s25;
	[sflag:s16] =	ssyncset.done $0x0  }
0x4f: {  	p0 =	sne.s32 s25, s11;
	[sflag:s16] =	ssyncadd.s32 $0xFFFFE000  }
.Ltmp1:
0x50: {  	[bflag:$0x0] =	sbarrier.arrive $0xFFFF;
	(pc) =	sbr.rel @p0 .LBB2_1-.Ltmp1, $4  }
0x51: {  	[hbm:s10], [sflag:s24] =	dma.local [spmem:s15], $0x1400  }
0x52: {  	_ =	swait.ge [sflag:s23], $0x1400  }
0x53: {  	[sflag:s23] =	ssyncset.done $0x0  }
0x54: {  	[sflag:s23] =	ssyncadd.s32 $0xFFFFEC00  }
0x55: {  	_ =	sfence.sel $0x180000  }
0x56: {  	[bflag:$0x0] =	sbarrier.arrive $0xFFFF  }
0x57: {  	p0 =	sne.s32 s0, $0x0;
	_ =	strace $0x9000004A  }
0x58: {  	s0 =	sadd.s32 @!p0 $0x100000, s1;
	[bflag:$0x2] =	sbarrier.arrive $0xFFFF  }
0x59: {  	[sflag:s0] =	ssyncadd.tile.s32 @!p0 $0x1;
	_ =	shalt  }
.Lfunc_end2:
_tile_overlayer_lowered:
.L_overlay_start_2:
0x5a: {  	(tag) =	ssettag $0x2  }
0x5b: {  	s0 =	rddreg [dreg:$0x0];
	s2 =	stileid.u32  }
0x5c: {  	s1 =	rddreg [dreg:$0x1];
	p0 =	sne.s32 s2, $0x0  }
0x5d: {  	s3 =	rddreg [dreg:$0x2];
	[bflag:$0x3] =	sbarrier.arrive $0xFFFF;
	s2 =	simm.s32 @!p0 $0x1C05  }
0x5e: {  	[timem:s3], [sflag:s2] =	dma.local @!p0 [hbm:s0], s1  }
0x5f: {  	s0 =	simm.s32 @!p0 $0x5  }
0x60: {  	_ =	swait.ge @!p0 [sflag:s0], s1  }
0x61: {  	s1 =	ssub.s32 @!p0 $0x0, s1;
	[sflag:s0] =	ssyncset.done @!p0 $0x0  }
0x62: {  	[sflag:s0] =	ssyncadd.s32 @!p0 s1  }
0x63: {  	[bflag:$0x3] =	sbarrier.arrive $0xFFFF  }
0x64: {  	_ =	shalt  }

// kernel: kernel.17.cloned.1.call-start
scs
__scs_entry_jumppad:
0x0: {  	(pc) =	sbr.rel $0x88, $3  }
0x1: {  	(tag) =	ssettag $0x0;
	lr =	simm.s32 $0x1  }
0x2: {  	[smem:$0x3F94] =	sst lr;
	_ =	strace $0xD0000000  }
0x3: {  	_ = 	snop  }
0x4: {  	_ = 	snop  }
0x5: {  	_ = 	snop  }
0x6: {  	_ = 	snop  }
0x7: {  	_ = 	snop  }
__scs_overlays_trampoline_lowered:
0x8: {  	[smem:$0x3FA3] =	sst s0  }
0x9: {  	[smem:$0x3FA4] =	sst s1  }
0xa: {  	[smem:$0x3FA5] =	sst s2  }
0xb: {  	[smem:$0x3FA6] =	sst s3  }
0xc: {  	[smem:$0x3FA7] =	sst s4  }
0xd: {  	[smem:$0x3FA8] =	sst s5  }
0xe: {  	[smem:$0x3FA9] =	sst s6  }
0xf: {  	[smem:$0x3FAA] =	sst s7  }
0x10: {  	[smem:$0x3FAB] =	sst s8  }
0x11: {  	[smem:$0x3FAC] =	sst s9;
	s0 =	simm.s32 @!p0 $0x0  }
0x12: {  	s1 =	sld [smem:$0x3F92];
	s0 =	simm.s32 @p0 $0x1  }
0x13: {  	[smem:$0x3FAD] =	sst s0;
	s0 =	simm.s32 @!p1 $0x0  }
0x14: {  	s2 =	sld [smem:$0x3F91];
	s0 =	simm.s32 @p1 $0x1  }
0x15: {  	[smem:$0x3FAE] =	sst s0;
	s0 =	simm.s32 @!p2 $0x0  }
0x16: {  	s3 =	sld [smem:$0x3FDB];
	s0 =	simm.s32 @p2 $0x1  }
0x17: {  	s4 =	simm.s32 $0x1BF5;
	[smem:$0x3FB0] =	sst s0  }
0x18: {  	s0 =	sld [smem:$0x3F93];
	_ =	swait.ge [sflag:s4], $0x0  }
0x19: {  	s7 =	sld [smem:$0x3F94]  }
0x1a: {  	s8 =	sadd.s32 $0xFFFFE003, lr  }
0x1b: {  	s9 =	sadd.s32 $0xFFFFFEF7, lr;
	s5 =	simm.s32 $0xFFFFFFFF;
	p2 =	slt.u32 s8, $0xFFFFF086  }
0x1c: {  	p1 =	slt.u32 s9, $0xF7A;
	s5 =	simm.s32 @!p2 $0x0  }
0x1d: {  	s5 =	simm.s32 @p1 $0x1;
	p0 =	seq.s32 s7, s2  }
0x1e: {  	s7 =	smul.u32 @!p0 $0xF7A, s2;
	p2 =	seq.s32 @!p0 s5, $0x0  }
0x1f: {  	s9 =	smul.u32 $0xF7A, s1;
	s8 =	simm.s32 @!p0 $0x1BF5;
	p2 =	por !p2, p0  }
0x20: {  	[sflag:s8] =	ssyncset.s32 @!p0 $0xFFFFF086;
	s6 =	sadd.s32 @!p0 s3, s7;
	s7 =	simm.s32 @!p0 $0x108  }
0x21: {  	s3 =	sadd.s32 s3, s9;
	s6 =	sadd.s32 @!p0 $0x88, s6;
	s7 =	simm.s32 @p2 $0x1082  }
0x22: {  	[simem:s7], [sflag:s8] =	dma.local @!p0 [hbm:s6], $0xF7A  }
0x23: {  	s9 =	sor.u32 $0xD0000000, s2;
	s6 =	simm.s32 $0x108;
	_ =	swait.ge @!p0 [sflag:s8], $0x0  }
0x24: {  	s3 =	sadd.s32 $0x88, s3;
	s6 =	simm.s32 @!p1 $0x1082;
	[sflag:s4] =	ssyncset.s32 $0xFFFFF086  }
0x25: {  	[simem:s6], [sflag:s4] =	dma.local [hbm:s3], $0xF7A  }
0x26: {  	[smem:$0x3F94] =	sst s1;
	(tag) =	ssettag s2;
	_ =	strace s9  }
0x27: {  	s1 =	sld [smem:$0x3FA4]  }
0x28: {  	s2 =	sld [smem:$0x3FA5]  }
0x29: {  	s4 =	sld [smem:$0x3FA7]  }
0x2a: {  	p0 =	seq.s32 s5, $0x0;
	s5 =	sld [smem:$0x3FA8]  }
0x2b: {  	s6 =	sld [smem:$0x3FA9]  }
0x2c: {  	s7 =	sld [smem:$0x3FAA]  }
0x2d: {  	s3 =	simm.s32 $0x108;
	s8 =	sld [smem:$0x3FAB]  }
0x2e: {  	s3 =	simm.s32 @!p0 $0x1082;
	s9 =	sld [smem:$0x3FAC]  }
0x2f: {  	lr =	sadd.s32 s0, s3;
	s0 =	sld [smem:$0x3FA3]  }
0x30: {  	s3 =	sld [smem:$0x3FA6]  }
0x31: {  	[smem:$0x3FAF] =	sst s10  }
0x32: {  	s10 =	sld [smem:$0x3FAD];
	_ =	sdelay $0x3  }
0x33: {  	p0 =	seq.s32 s10, $0x1;
	s10 =	sld [smem:$0x3FAF];
	_ =	sdelay $0x3  }
0x34: {  	[smem:$0x3FAF] =	sst s10  }
0x35: {  	s10 =	sld [smem:$0x3FAE];
	_ =	sdelay $0x3  }
0x36: {  	p1 =	seq.s32 s10, $0x1;
	s10 =	sld [smem:$0x3FAF];
	_ =	sdelay $0x3  }
0x37: {  	[smem:$0x3FAF] =	sst s10  }
0x38: {  	s10 =	sld [smem:$0x3FB0]  }
0x39: {  	_ = 	snop;
	(pc) =	sbr.ind lr, $3  }
0x3a: {  	_ = 	snop  }
0x3b: {  	_ = 	snop  }
0x3c: {  	p2 =	seq.s32 s10, $0x1;
	s10 =	sld [smem:$0x3FAF]  }
0x3d: {  	_ =	shalt  }
0x3e: {  	_ =	shalt  }
0x3f: {  	_ =	shalt  }
0x40: {  	_ =	shalt  }
0x41: {  	_ =	shalt  }
0x42: {  	_ =	shalt  }
0x43: {  	_ =	shalt  }
0x44: {  	_ =	shalt  }
0x45: {  	_ =	shalt  }
0x46: {  	_ =	shalt  }
0x47: {  	_ =	shalt  }
0x48: {  	_ =	shalt  }
0x49: {  	_ =	shalt  }
0x4a: {  	_ =	shalt  }
0x4b: {  	_ =	shalt  }
0x4c: {  	_ =	shalt  }
0x4d: {  	_ =	shalt  }
0x4e: {  	_ =	shalt  }
0x4f: {  	_ =	shalt  }
0x50: {  	_ =	shalt  }
0x51: {  	_ =	shalt  }
0x52: {  	_ =	shalt  }
0x53: {  	_ =	shalt  }
0x54: {  	_ =	shalt  }
0x55: {  	_ =	shalt  }
0x56: {  	_ =	shalt  }
0x57: {  	_ =	shalt  }
0x58: {  	_ =	shalt  }
0x59: {  	_ =	shalt  }
0x5a: {  	_ =	shalt  }
0x5b: {  	_ =	shalt  }
0x5c: {  	_ =	shalt  }
0x5d: {  	_ =	shalt  }
0x5e: {  	_ =	shalt  }
0x5f: {  	_ =	shalt  }
0x60: {  	_ =	shalt  }
0x61: {  	_ =	shalt  }
0x62: {  	_ =	shalt  }
0x63: {  	_ =	shalt  }
0x64: {  	_ =	shalt  }
0x65: {  	_ =	shalt  }
0x66: {  	_ =	shalt  }
0x67: {  	_ =	shalt  }
0x68: {  	_ =	shalt  }
0x69: {  	_ =	shalt  }
0x6a: {  	_ =	shalt  }
0x6b: {  	_ =	shalt  }
0x6c: {  	_ =	shalt  }
0x6d: {  	_ =	shalt  }
0x6e: {  	_ =	shalt  }
0x6f: {  	_ =	shalt  }
0x70: {  	_ =	shalt  }
0x71: {  	_ =	shalt  }
0x72: {  	_ =	shalt  }
0x73: {  	_ =	shalt  }
0x74: {  	_ =	shalt  }
0x75: {  	_ =	shalt  }
0x76: {  	_ =	shalt  }
0x77: {  	_ =	shalt  }
0x78: {  	_ =	shalt  }
0x79: {  	_ =	shalt  }
0x7a: {  	_ =	shalt  }
0x7b: {  	_ =	shalt  }
0x7c: {  	_ =	shalt  }
0x7d: {  	_ =	shalt  }
0x7e: {  	_ =	shalt  }
0x7f: {  	_ =	shalt  }
0x80: {  	_ =	shalt  }
0x81: {  	_ =	shalt  }
0x82: {  	_ =	shalt  }
0x83: {  	_ =	shalt  }
0x84: {  	_ =	shalt  }
0x85: {  	_ =	shalt  }
0x86: {  	_ =	shalt  }
0x87: {  	_ =	shalt  }
.Lfunc_end0:
.L_simem_size_0:
called_computation.2_lowered:
.L_overlay_start_0:
0x88: {  	s2 =	sld [smem:$0x3FD9]  }
0x89: {  	s3 =	sld [smem:$0x3FFE];
	_ =	sdelay $0x1  }
0x8a: {  	s1 =	srdreg.scid  }
0x8b: {  	s0 =	sand.u32 $0x1, s1  }
0x8c: {  	s16 =	sshll.u32 s0, $0xA;
	s2 =	sadd.s32 s3, s2  }
0x8d: {  	s2 =	sadd.s32 s2, s16  }
0x8e: {  	[smem:$0x3FBB] =	sst s2  }
0x8f: {  	_ = 	snop  }
0x90: {  	(tm) =	ssettm $0x1  }
0x91: {  	s17 =	sld [smem:$0x3FFB];
	_ =	sdelay $0x3  }
0x92: {  	_ =	strace s17  }
0x93: {  	s2 =	sld [smem:$0x3FFC];
	_ =	sdelay $0x3  }
0x94: {  	_ =	strace s2  }
0x95: {  	s2 =	sld [smem:$0x3FFD];
	_ =	sdelay $0x3  }
0x96: {  	_ =	strace s2  }
0x97: {  	_ =	strace $0x8FFFFFFF  }
0x98: {  	s18 =	sld [smem:$0x3FDB];
	_ =	sdelay $0x1  }
0x99: {  	s19 =	simm.s32 $_scs_section_size  }
0x9a: {  	s4 =	simm.s32 $_size__tile_overlayer_lowered;
	s5 =	simm.s32 $_tile_overlayer_lowered  }
0x9b: {  	s22 =	simm.s32 $0x1BFF;
	s21 =	sshll.u32 s5, $0x1;
	s2 =	sadd.s32 s19, s18  }
0x9c: {  	s6 =	simm.s32 $0x0;
	s20 =	sshll.u32 s4, $0x1;
	s4 =	sadd.s32 s21, s2  }
0x9d: {  	[timem:s6], [sflag:s22] =	dma.local [hbm:s4], s20  }
0x9e: {  	_ =	swait.ge [sflag:s22], s20  }
0x9f: {  	s3 =	ssub.s32 $0x0, s20;
	[sflag:s22] =	ssyncset.done $0x0  }
0xa0: {  	[sflag:s22] =	ssyncadd.s32 s3;
	_ =	sdelay $0x1  }
0xa1: {  	s23 =	simm.s32 $0x1B8B  }
0xa2: {  	_ =	swait.ge [sflag:s23], $0x1  }
0xa3: {  	[sflag:s23] =	ssyncset.done $0x0  }
0xa4: {  	s25 =	simm.s32 $0x1B8E;
	s24 =	sld [smem:$0x3FFE];
	[sflag:s23] =	ssyncadd.s32 $0xFFFFFFFF  }
0xa5: {  	s26 =	simm.s32 $execute0_lowered;
	[smem:$0x3FD2] =	sst s25  }
0xa6: {  	s4 =	sshll.u32 s26, $0x1;
	_ =	strace $0x8000004C;
	[dreg:$0x1] =	wrdreg $0xFFFFFFFF  }
0xa7: {  	s28 =	simm.s32 $_size_execute0_lowered;
	s2 =	sadd.s32 s2, s4;
	[dreg:$0x0] =	wrdreg $0x0  }
0xa8: {  	s4 =	sshll.u32 s28, $0x1;
	[dreg:$0x2] =	wrdreg s2  }
0xa9: {  	[dreg:$0x3] =	wrdreg s4  }
0xaa: {  	[dreg:$0x4] =	wrdreg $0xC0  }
0xab: {  	_ =	task [dreg:s6], $0x5FFFF  }
0xac: {  	[dreg:$0x1] =	wrdreg $0xFFFFFFFF  }
0xad: {  	[dreg:$0x0] =	wrdreg $0x60  }
0xae: {  	[dreg:$0x2] =	wrdreg s24  }
0xaf: {  	[dreg:$0x3] =	wrdreg $0x92000  }
0xb0: {  	[dreg:$0x4] =	wrdreg $0x132000  }
0xb1: {  	[dreg:$0x5] =	wrdreg $0x9  }
0xb2: {  	_ =	task.clear_ibuf [dreg:s6], $0x6FFFF;
	_ =	strace $0x9000004C  }
0xb3: {  	s29 =	simm.s32 $0x9;
	_ =	strace $0x8000004E  }
0xb4: {  	_ =	swait.ge [sflag:s29], $0x1  }
0xb5: {  	[sflag:s29] =	ssyncadd.s32 $0xFFFFFFFF  }
0xb6: {  	_ =	strace $0x9000004E  }
0xb7: {  	_ =	sfence  }
0xb8: {  	s30 =	sld [smem:$0x0];
	_ =	sdelay $0x2  }
0xb9: {  	s31 =	sshll.u32 s1, $0xD;
	s1 =	sshrl.u32 s1, $0x2  }
0xba: {  	s3 =	sand.u32 $0x4000, s31;
	s1 =	sadd.s32 s1, s30  }
0xbb: {  	s0 =	sor.u32 s3, s0;
	s1 =	sshll.u32 s1, $0x11  }
0xbc: {  	s0 =	sor.u32 s1, s0  }
0xbd: {  	s0 =	sadd.s32 $0x8F2B, s0  }
0xbe: {  	[sflag:s0] =	ssyncadd.remote.s32 $0x1  }
0xbf: {  	_ =	sfence.sel $0xFFFF  }
0xc0: {  	[dreg:$0x0] =	wrdreg $0xFFFFFFFF;
	(pc) =	sbr.abs _section_cstart, $3  }
0xc1: {  	[dreg:$0x1] =	wrdreg $0xFFFFFFFF  }
0xc2: {  	_ =	task.clear_ibuf [dreg:s6], $0x2FFFF;
	_ =	strace $0x9FFFFFFF  }
0xc3: {  	(tm) =	ssettm $0x7FFFFFFF  }
tec
execute0_lowered:
.L_overlay_start_1:
0x0: {  	(tag) =	ssettag $0x1  }
0x1: {  	s6 =	rddreg [dreg:$0x0]  }
0x2: {  	s0 =	stileid.u32;
	s2 =	rddreg [dreg:$0x1]  }
0x3: {  	s1 =	srdreg.scid;
	s3 =	rddreg [dreg:$0x2]  }
0x4: {  	s4 =	simm.s32 $0x0;
	s16 =	simm.s32 $0x1;
	s17 =	simm.s32 $0x2  }
0x5: {  	s18 =	simm.s32 $0x3;
	s19 =	simm.s32 $0x4;
	s20 =	simm.s32 $0x80  }
0x6: {  	s21 =	simm.s32 $0x5200;
	s22 =	simm.s32 $0x7200;
	s23 =	simm.s32 $0x5  }
0x7: {  	s25 =	simm.s32 $0x0;
	s5 =	sand.u32 $0x1, s1;
	s10 =	smul.u32 $0xA000, s0  }
0x8: {  	s29 =	sshll.u32 s0, $0x1;
	s9 =	smul.u32 $0x1400, s0;
	[smem:$0x7FF] =	sst s4  }
0x9: {  	s24 =	sshll.u32 s0, $0x6;
	s1 =	sor.u32 s5, s29;
	s12 =	smul.u32 $0x14000, s5  }
0xa: {  	s30 =	ssub.s32 $0x2, s5;
	s5 =	sadd.s32 $0xD000, s6;
	s7 =	smul.u32 $0x540, s1  }
0xb: {  	s8 =	smul.u32 $0x500, s1;
	s1 =	rddreg [dreg:$0x3];
	s11 =	sshrl.u32 s10, $0x3  }
0xc: {  	_ =	strace $0x8000004D;
	s31 =	sshrl.u32 s30, $0x1;
	s14 =	sadd.s32 s10, s2  }
0xd: {  	s15 =	sadd.s32 s10, s3;
	s11 =	sadd.s32 s11, s6;
	s9 =	sadd.s32 s9, s12  }
0xe: {  	s12 =	ssub.s32 s30, s31;
	s15 =	sshrl.u32 s15, $0x3;
	s7 =	sadd.s32 s7, s6  }
0xf: {  	s8 =	sadd.s32 s8, s6;
	s13 =	sadd.s32 s9, s6;
	s9 =	sor.u32 $0x1C03, s24  }
0x10: {  	s6 =	sadd.s32 $0x17800, s7;
	s7 =	sadd.s32 $0x3000, s8;
	s8 =	sadd.s32 $0x22000, s11  }
0x11: {  	s10 =	sadd.s32 $0x36000, s13;
	s11 =	smax.u32 s12, $0x1;
	s12 =	simm.s32 $0x2A00  }
0x12: {  	s13 =	sshrl.u32 s14, $0x3;
	s14 =	sor.u32 $0x1C04, s24;
	s24 =	sor.u32 $0x1C05, s24  }
.LBB2_1:
0x13: {  	[tilespmem:s4], [sflag:$0x1] =	stream.linear.gather [hbm4b:s6+s4], $0x2A00, $0x38;
	[tilespmem:$0x1D200] =	vst v63  }
0x14: {  	_ = 	snop  }
0x15: {  	[tilespmem:s12], [sflag:$0x2] =	stream.linear.gather [hbm4b:s7+s4], $0x2800, $0x38;
	[tilespmem:$0x1D200] =	vst v63  }
0x16: {  	[spmem:s13], [sflag:s9] =	dma.local [hbm:s8], $0x1400  }
0x17: {  	[spmem:s15], [sflag:s14] =	dma.local [hbm:s5], $0x1400  }
0x18: {  	_ =	swait.ge [sflag:s16], $0x2A00  }
0x19: {  	[sflag:s16] =	ssyncset.done $0x0  }
0x1a: {  	[sflag:s16] =	ssyncadd.s32 $0xFFFFD600  }
0x1b: {  	_ =	swait.ge [sflag:s17], $0x2800  }
0x1c: {  	[sflag:s17] =	ssyncset.done $0x0  }
0x1d: {  	[sflag:s17] =	ssyncadd.s32 $0xFFFFD800  }
0x1e: {  	_ =	swait.ge [sflag:s18], $0x1400  }
0x1f: {  	[sflag:s18] =	ssyncset.done $0x0  }
0x20: {  	[sflag:s18] =	ssyncadd.s32 $0xFFFFEC00  }
0x21: {  	_ =	swait.ge [sflag:s19], $0x1400  }
0x22: {  	[sflag:s19] =	ssyncset.done $0x0  }
0x23: {  	[sflag:s19] =	ssyncadd.s32 $0xFFFFEC00  }
0x24: {  	[bflag:$0x0] =	sbarrier.arrive $0xFFFF  }
0x25: {  	[tilespmem:s21], [sflag:$0x1] =	stream.indirect.gather [spmem:s2], $0x40, s4, s20, $0xb8;
	[tilespmem:$0x1D200] =	vst v63  }
0x26: {  	_ =	swait.ge [sflag:s16], $0x2000  }
0x27: {  	[sflag:s16] =	ssyncset.done $0x0  }
0x28: {  	s26 =	simm.s32 $0x80;
	[sflag:s16] =	ssyncadd.s32 $0xFFFFE000  }
0x29: {  	[tilespmem:s22], [sflag:$0x2] =	stream.indirect.gather [spmem:s2], $0x40, s26, s20, $0xb8;
	[tilespmem:$0x1D200] =	vst v63  }
0x2a: {  	s29 =	simm.s32 $0x2A00  }
0x2b: {  	[spmem:s3] =	stream.indirect.scatter.add.f32 [tilespmem:s21], [sflag:$0x5], $0x40, s29, s20, $0xb8;
	[tilespmem:$0x1D200] =	vst v63  }
0x2c: {  	_ =	swait.ge [sflag:s23], $0x2000  }
0x2d: {  	[sflag:s23] =	ssyncset.done $0x0  }
0x2e: {  	[sflag:s23] =	ssyncadd.s32 $0xFFFFE000  }
0x2f: {  	_ =	swait.ge [sflag:s17], $0x2000  }
0x30: {  	[sflag:s17] =	ssyncset.done $0x0  }
0x31: {  	s30 =	simm.s32 $0x100;
	[sflag:s17] =	ssyncadd.s32 $0xFFFFE000  }
0x32: {  	[tilespmem:s21], [sflag:$0x1] =	stream.indirect.gather [spmem:s2], $0x40, s30, s20, $0xb8;
	[tilespmem:$0x1D200] =	vst v63  }
0x33: {  	s31 =	simm.s32 $0x2A80  }
0x34: {  	[spmem:s3] =	stream.indirect.scatter.add.f32 [tilespmem:s22], [sflag:$0x5], $0x40, s31, s20, $0xb8;
	[tilespmem:$0x1D200] =	vst v63  }
0x35: {  	_ =	swait.ge [sflag:s23], $0x2000  }
0x36: {  	s26 =	simm.s32 $0x400;
	[sflag:s23] =	ssyncset.done $0x0  }
.LBB2_2:
0x37: {  	p0 =	sne.s32 s26, $0x9C00  }
0x38: {  	[sflag:s23] =	ssyncadd.s32 $0xFFFFE000;
	s28 =	smov.u32 s26;
	s26 =	sadd.s32 $0x400, s26  }
0x39: {  	_ = 	snop  }
0x3a: {  	_ =	swait.ge [sflag:s16], $0x2000  }
0x3b: {  	s28 =	sshra.s32 s28, $0x2;
	[sflag:s16] =	ssyncset.done $0x0  }
0x3c: {  	s29 =	sadd.s32 $0x80, s28;
	[sflag:s16] =	ssyncadd.s32 $0xFFFFE000  }
0x3d: {  	[tilespmem:s22], [sflag:$0x2] =	stream.indirect.gather [spmem:s2], $0x40, s29, s20, $0xb8;
	[tilespmem:$0x1D200] =	vst v63  }
0x3e: {  	s29 =	sadd.s32 $0x2A00, s28  }
0x3f: {  	[spmem:s3] =	stream.indirect.scatter.add.f32 [tilespmem:s21], [sflag:$0x5], $0x40, s29, s20, $0xb8;
	[tilespmem:$0x1D200] =	vst v63  }
0x40: {  	_ =	swait.ge [sflag:s23], $0x2000  }
0x41: {  	[sflag:s23] =	ssyncset.done $0x0  }
0x42: {  	[sflag:s23] =	ssyncadd.s32 $0xFFFFE000  }
0x43: {  	_ =	swait.ge [sflag:s17], $0x2000  }
0x44: {  	[sflag:s17] =	ssyncset.done $0x0  }
0x45: {  	s29 =	sadd.s32 $0x100, s28;
	[sflag:s17] =	ssyncadd.s32 $0xFFFFE000  }
0x46: {  	[tilespmem:s21], [sflag:$0x1] =	stream.indirect.gather [spmem:s2], $0x40, s29, s20, $0xb8;
	[tilespmem:$0x1D200] =	vst v63  }
.Ltmp0:
0x47: {  	_ = 	snop;
	(pc) =	sbr.rel @p0 .LBB2_2-.Ltmp0, $4  }
0x48: {  	s28 =	sadd.s32 $0x2A80, s28  }
0x49: {  	[spmem:s3] =	stream.indirect.scatter.add.f32 [tilespmem:s22], [sflag:$0x5], $0x40, s28, s20, $0xb8;
	[tilespmem:$0x1D200] =	vst v63  }
0x4a: {  	_ =	swait.ge [sflag:s23], $0x2000  }
0x4b: {  	[sflag:s23] =	ssyncset.done $0x0  }
0x4c: {  	[sflag:s23] =	ssyncadd.s32 $0xFFFFE000  }
0x4d: {  	_ =	swait.ge [sflag:s16], $0x2000  }
0x4e: {  	s25 =	sadd.s32 $0x1, s25;
	[sflag:s16] =	ssyncset.done $0x0  }
0x4f: {  	p0 =	sne.s32 s25, s11;
	[sflag:s16] =	ssyncadd.s32 $0xFFFFE000  }
.Ltmp1:
0x50: {  	[bflag:$0x0] =	sbarrier.arrive $0xFFFF;
	(pc) =	sbr.rel @p0 .LBB2_1-.Ltmp1, $4  }
0x51: {  	[hbm:s10], [sflag:s24] =	dma.local [spmem:s15], $0x1400  }
0x52: {  	_ =	swait.ge [sflag:s23], $0x1400  }
0x53: {  	[sflag:s23] =	ssyncset.done $0x0  }
0x54: {  	[sflag:s23] =	ssyncadd.s32 $0xFFFFEC00  }
0x55: {  	_ =	sfence.sel $0x180000  }
0x56: {  	[bflag:$0x0] =	sbarrier.arrive $0xFFFF  }
0x57: {  	p0 =	sne.s32 s0, $0x0;
	_ =	strace $0x9000004D  }
0x58: {  	s0 =	sadd.s32 @!p0 $0x100000, s1;
	[bflag:$0x2] =	sbarrier.arrive $0xFFFF  }
0x59: {  	[sflag:s0] =	ssyncadd.tile.s32 @!p0 $0x1;
	_ =	shalt  }
.Lfunc_end2:
_tile_overlayer_lowered:
.L_overlay_start_2:
0x5a: {  	(tag) =	ssettag $0x2  }
0x5b: {  	s0 =	rddreg [dreg:$0x0];
	s2 =	stileid.u32  }
0x5c: {  	s1 =	rddreg [dreg:$0x1];
	p0 =	sne.s32 s2, $0x0  }
0x5d: {  	s3 =	rddreg [dreg:$0x2];
	[bflag:$0x3] =	sbarrier.arrive $0xFFFF;
	s2 =	simm.s32 @!p0 $0x1C05  }
0x5e: {  	[timem:s3], [sflag:s2] =	dma.local @!p0 [hbm:s0], s1  }
0x5f: {  	s0 =	simm.s32 @!p0 $0x5  }
0x60: {  	_ =	swait.ge @!p0 [sflag:s0], s1  }
0x61: {  	s1 =	ssub.s32 @!p0 $0x0, s1;
	[sflag:s0] =	ssyncset.done @!p0 $0x0  }
0x62: {  	[sflag:s0] =	ssyncadd.s32 @!p0 s1  }
0x63: {  	[bflag:$0x3] =	sbarrier.arrive $0xFFFF  }
0x64: {  	_ =	shalt  }

// kernel: kernel.20.cloned.1.call-start
scs
__scs_entry_jumppad:
0x0: {  	(pc) =	sbr.rel $0x88, $3  }
0x1: {  	(tag) =	ssettag $0x0;
	lr =	simm.s32 $0x1  }
0x2: {  	[smem:$0x3F94] =	sst lr;
	_ =	strace $0xD0000000  }
0x3: {  	_ = 	snop  }
0x4: {  	_ = 	snop  }
0x5: {  	_ = 	snop  }
0x6: {  	_ = 	snop  }
0x7: {  	_ = 	snop  }
__scs_overlays_trampoline_lowered:
0x8: {  	[smem:$0x3FA3] =	sst s0  }
0x9: {  	[smem:$0x3FA4] =	sst s1  }
0xa: {  	[smem:$0x3FA5] =	sst s2  }
0xb: {  	[smem:$0x3FA6] =	sst s3  }
0xc: {  	[smem:$0x3FA7] =	sst s4  }
0xd: {  	[smem:$0x3FA8] =	sst s5  }
0xe: {  	[smem:$0x3FA9] =	sst s6  }
0xf: {  	[smem:$0x3FAA] =	sst s7  }
0x10: {  	[smem:$0x3FAB] =	sst s8  }
0x11: {  	[smem:$0x3FAC] =	sst s9;
	s0 =	simm.s32 @!p0 $0x0  }
0x12: {  	s1 =	sld [smem:$0x3F92];
	s0 =	simm.s32 @p0 $0x1  }
0x13: {  	[smem:$0x3FAD] =	sst s0;
	s0 =	simm.s32 @!p1 $0x0  }
0x14: {  	s2 =	sld [smem:$0x3F91];
	s0 =	simm.s32 @p1 $0x1  }
0x15: {  	[smem:$0x3FAE] =	sst s0;
	s0 =	simm.s32 @!p2 $0x0  }
0x16: {  	s3 =	sld [smem:$0x3FDB];
	s0 =	simm.s32 @p2 $0x1  }
0x17: {  	s4 =	simm.s32 $0x1BF5;
	[smem:$0x3FB0] =	sst s0  }
0x18: {  	s0 =	sld [smem:$0x3F93];
	_ =	swait.ge [sflag:s4], $0x0  }
0x19: {  	s7 =	sld [smem:$0x3F94]  }
0x1a: {  	s8 =	sadd.s32 $0xFFFFE003, lr  }
0x1b: {  	s9 =	sadd.s32 $0xFFFFFEF7, lr;
	s5 =	simm.s32 $0xFFFFFFFF;
	p2 =	slt.u32 s8, $0xFFFFF086  }
0x1c: {  	p1 =	slt.u32 s9, $0xF7A;
	s5 =	simm.s32 @!p2 $0x0  }
0x1d: {  	s5 =	simm.s32 @p1 $0x1;
	p0 =	seq.s32 s7, s2  }
0x1e: {  	s7 =	smul.u32 @!p0 $0xF7A, s2;
	p2 =	seq.s32 @!p0 s5, $0x0  }
0x1f: {  	s9 =	smul.u32 $0xF7A, s1;
	s8 =	simm.s32 @!p0 $0x1BF5;
	p2 =	por !p2, p0  }
0x20: {  	[sflag:s8] =	ssyncset.s32 @!p0 $0xFFFFF086;
	s6 =	sadd.s32 @!p0 s3, s7;
	s7 =	simm.s32 @!p0 $0x108  }
0x21: {  	s3 =	sadd.s32 s3, s9;
	s6 =	sadd.s32 @!p0 $0x88, s6;
	s7 =	simm.s32 @p2 $0x1082  }
0x22: {  	[simem:s7], [sflag:s8] =	dma.local @!p0 [hbm:s6], $0xF7A  }
0x23: {  	s9 =	sor.u32 $0xD0000000, s2;
	s6 =	simm.s32 $0x108;
	_ =	swait.ge @!p0 [sflag:s8], $0x0  }
0x24: {  	s3 =	sadd.s32 $0x88, s3;
	s6 =	simm.s32 @!p1 $0x1082;
	[sflag:s4] =	ssyncset.s32 $0xFFFFF086  }
0x25: {  	[simem:s6], [sflag:s4] =	dma.local [hbm:s3], $0xF7A  }
0x26: {  	[smem:$0x3F94] =	sst s1;
	(tag) =	ssettag s2;
	_ =	strace s9  }
0x27: {  	s1 =	sld [smem:$0x3FA4]  }
0x28: {  	s2 =	sld [smem:$0x3FA5]  }
0x29: {  	s4 =	sld [smem:$0x3FA7]  }
0x2a: {  	p0 =	seq.s32 s5, $0x0;
	s5 =	sld [smem:$0x3FA8]  }
0x2b: {  	s6 =	sld [smem:$0x3FA9]  }
0x2c: {  	s7 =	sld [smem:$0x3FAA]  }
0x2d: {  	s3 =	simm.s32 $0x108;
	s8 =	sld [smem:$0x3FAB]  }
0x2e: {  	s3 =	simm.s32 @!p0 $0x1082;
	s9 =	sld [smem:$0x3FAC]  }
0x2f: {  	lr =	sadd.s32 s0, s3;
	s0 =	sld [smem:$0x3FA3]  }
0x30: {  	s3 =	sld [smem:$0x3FA6]  }
0x31: {  	[smem:$0x3FAF] =	sst s10  }
0x32: {  	s10 =	sld [smem:$0x3FAD];
	_ =	sdelay $0x3  }
0x33: {  	p0 =	seq.s32 s10, $0x1;
	s10 =	sld [smem:$0x3FAF];
	_ =	sdelay $0x3  }
0x34: {  	[smem:$0x3FAF] =	sst s10  }
0x35: {  	s10 =	sld [smem:$0x3FAE];
	_ =	sdelay $0x3  }
0x36: {  	p1 =	seq.s32 s10, $0x1;
	s10 =	sld [smem:$0x3FAF];
	_ =	sdelay $0x3  }
0x37: {  	[smem:$0x3FAF] =	sst s10  }
0x38: {  	s10 =	sld [smem:$0x3FB0]  }
0x39: {  	_ = 	snop;
	(pc) =	sbr.ind lr, $3  }
0x3a: {  	_ = 	snop  }
0x3b: {  	_ = 	snop  }
0x3c: {  	p2 =	seq.s32 s10, $0x1;
	s10 =	sld [smem:$0x3FAF]  }
0x3d: {  	_ =	shalt  }
0x3e: {  	_ =	shalt  }
0x3f: {  	_ =	shalt  }
0x40: {  	_ =	shalt  }
0x41: {  	_ =	shalt  }
0x42: {  	_ =	shalt  }
0x43: {  	_ =	shalt  }
0x44: {  	_ =	shalt  }
0x45: {  	_ =	shalt  }
0x46: {  	_ =	shalt  }
0x47: {  	_ =	shalt  }
0x48: {  	_ =	shalt  }
0x49: {  	_ =	shalt  }
0x4a: {  	_ =	shalt  }
0x4b: {  	_ =	shalt  }
0x4c: {  	_ =	shalt  }
0x4d: {  	_ =	shalt  }
0x4e: {  	_ =	shalt  }
0x4f: {  	_ =	shalt  }
0x50: {  	_ =	shalt  }
0x51: {  	_ =	shalt  }
0x52: {  	_ =	shalt  }
0x53: {  	_ =	shalt  }
0x54: {  	_ =	shalt  }
0x55: {  	_ =	shalt  }
0x56: {  	_ =	shalt  }
0x57: {  	_ =	shalt  }
0x58: {  	_ =	shalt  }
0x59: {  	_ =	shalt  }
0x5a: {  	_ =	shalt  }
0x5b: {  	_ =	shalt  }
0x5c: {  	_ =	shalt  }
0x5d: {  	_ =	shalt  }
0x5e: {  	_ =	shalt  }
0x5f: {  	_ =	shalt  }
0x60: {  	_ =	shalt  }
0x61: {  	_ =	shalt  }
0x62: {  	_ =	shalt  }
0x63: {  	_ =	shalt  }
0x64: {  	_ =	shalt  }
0x65: {  	_ =	shalt  }
0x66: {  	_ =	shalt  }
0x67: {  	_ =	shalt  }
0x68: {  	_ =	shalt  }
0x69: {  	_ =	shalt  }
0x6a: {  	_ =	shalt  }
0x6b: {  	_ =	shalt  }
0x6c: {  	_ =	shalt  }
0x6d: {  	_ =	shalt  }
0x6e: {  	_ =	shalt  }
0x6f: {  	_ =	shalt  }
0x70: {  	_ =	shalt  }
0x71: {  	_ =	shalt  }
0x72: {  	_ =	shalt  }
0x73: {  	_ =	shalt  }
0x74: {  	_ =	shalt  }
0x75: {  	_ =	shalt  }
0x76: {  	_ =	shalt  }
0x77: {  	_ =	shalt  }
0x78: {  	_ =	shalt  }
0x79: {  	_ =	shalt  }
0x7a: {  	_ =	shalt  }
0x7b: {  	_ =	shalt  }
0x7c: {  	_ =	shalt  }
0x7d: {  	_ =	shalt  }
0x7e: {  	_ =	shalt  }
0x7f: {  	_ =	shalt  }
0x80: {  	_ =	shalt  }
0x81: {  	_ =	shalt  }
0x82: {  	_ =	shalt  }
0x83: {  	_ =	shalt  }
0x84: {  	_ =	shalt  }
0x85: {  	_ =	shalt  }
0x86: {  	_ =	shalt  }
0x87: {  	_ =	shalt  }
.Lfunc_end0:
.L_simem_size_0:
called_computation.3_lowered:
.L_overlay_start_0:
0x88: {  	s2 =	sld [smem:$0x3FD9]  }
0x89: {  	s3 =	sld [smem:$0x3FFE];
	_ =	sdelay $0x1  }
0x8a: {  	s1 =	srdreg.scid  }
0x8b: {  	s0 =	sand.u32 $0x1, s1  }
0x8c: {  	s16 =	sshll.u32 s0, $0xA;
	s2 =	sadd.s32 s3, s2  }
0x8d: {  	s2 =	sadd.s32 s2, s16  }
0x8e: {  	[smem:$0x3FBB] =	sst s2  }
0x8f: {  	_ = 	snop  }
0x90: {  	(tm) =	ssettm $0x1  }
0x91: {  	s17 =	sld [smem:$0x3FFB];
	_ =	sdelay $0x3  }
0x92: {  	_ =	strace s17  }
0x93: {  	s2 =	sld [smem:$0x3FFC];
	_ =	sdelay $0x3  }
0x94: {  	_ =	strace s2  }
0x95: {  	s2 =	sld [smem:$0x3FFD];
	_ =	sdelay $0x3  }
0x96: {  	_ =	strace s2  }
0x97: {  	_ =	strace $0x8FFFFFFF  }
0x98: {  	s18 =	sld [smem:$0x3FDB];
	_ =	sdelay $0x1  }
0x99: {  	s19 =	simm.s32 $_scs_section_size  }
0x9a: {  	s4 =	simm.s32 $_size__tile_overlayer_lowered;
	s5 =	simm.s32 $_tile_overlayer_lowered  }
0x9b: {  	s22 =	simm.s32 $0x1BFF;
	s21 =	sshll.u32 s5, $0x1;
	s2 =	sadd.s32 s19, s18  }
0x9c: {  	s6 =	simm.s32 $0x0;
	s20 =	sshll.u32 s4, $0x1;
	s4 =	sadd.s32 s21, s2  }
0x9d: {  	[timem:s6], [sflag:s22] =	dma.local [hbm:s4], s20  }
0x9e: {  	_ =	swait.ge [sflag:s22], s20  }
0x9f: {  	s3 =	ssub.s32 $0x0, s20;
	[sflag:s22] =	ssyncset.done $0x0  }
0xa0: {  	[sflag:s22] =	ssyncadd.s32 s3;
	_ =	sdelay $0x1  }
0xa1: {  	s23 =	simm.s32 $0x1B8B  }
0xa2: {  	_ =	swait.ge [sflag:s23], $0x1  }
0xa3: {  	[sflag:s23] =	ssyncset.done $0x0  }
0xa4: {  	s25 =	simm.s32 $0x1B8E;
	s24 =	sld [smem:$0x3FFE];
	[sflag:s23] =	ssyncadd.s32 $0xFFFFFFFF  }
0xa5: {  	s26 =	simm.s32 $execute0_lowered;
	[smem:$0x3FD2] =	sst s25  }
0xa6: {  	s4 =	sshll.u32 s26, $0x1;
	_ =	strace $0x8000004F;
	[dreg:$0x1] =	wrdreg $0xFFFFFFFF  }
0xa7: {  	s28 =	simm.s32 $_size_execute0_lowered;
	s2 =	sadd.s32 s2, s4;
	[dreg:$0x0] =	wrdreg $0x0  }
0xa8: {  	s4 =	sshll.u32 s28, $0x1;
	[dreg:$0x2] =	wrdreg s2  }
0xa9: {  	[dreg:$0x3] =	wrdreg s4  }
0xaa: {  	[dreg:$0x4] =	wrdreg $0xC0  }
0xab: {  	_ =	task [dreg:s6], $0x5FFFF  }
0xac: {  	[dreg:$0x1] =	wrdreg $0xFFFFFFFF  }
0xad: {  	[dreg:$0x0] =	wrdreg $0x60  }
0xae: {  	[dreg:$0x2] =	wrdreg s24  }
0xaf: {  	[dreg:$0x3] =	wrdreg $0x92000  }
0xb0: {  	[dreg:$0x4] =	wrdreg $0x132000  }
0xb1: {  	[dreg:$0x5] =	wrdreg $0x9  }
0xb2: {  	_ =	task.clear_ibuf [dreg:s6], $0x6FFFF;
	_ =	strace $0x9000004F  }
0xb3: {  	s29 =	simm.s32 $0x9;
	_ =	strace $0x80000051  }
0xb4: {  	_ =	swait.ge [sflag:s29], $0x1  }
0xb5: {  	[sflag:s29] =	ssyncadd.s32 $0xFFFFFFFF  }
0xb6: {  	_ =	strace $0x90000051  }
0xb7: {  	_ =	sfence  }
0xb8: {  	s30 =	sld [smem:$0x0];
	_ =	sdelay $0x2  }
0xb9: {  	s31 =	sshll.u32 s1, $0xD;
	s1 =	sshrl.u32 s1, $0x2  }
0xba: {  	s3 =	sand.u32 $0x4000, s31;
	s1 =	sadd.s32 s1, s30  }
0xbb: {  	s0 =	sor.u32 s3, s0;
	s1 =	sshll.u32 s1, $0x11  }
0xbc: {  	s0 =	sor.u32 s1, s0  }
0xbd: {  	s0 =	sadd.s32 $0x8F2B, s0  }
0xbe: {  	[sflag:s0] =	ssyncadd.remote.s32 $0x1  }
0xbf: {  	_ =	sfence.sel $0xFFFF  }
0xc0: {  	[dreg:$0x0] =	wrdreg $0xFFFFFFFF;
	(pc) =	sbr.abs _section_cstart, $3  }
0xc1: {  	[dreg:$0x1] =	wrdreg $0xFFFFFFFF  }
0xc2: {  	_ =	task.clear_ibuf [dreg:s6], $0x2FFFF;
	_ =	strace $0x9FFFFFFF  }
0xc3: {  	(tm) =	ssettm $0x7FFFFFFF  }
tec
execute0_lowered:
.L_overlay_start_1:
0x0: {  	(tag) =	ssettag $0x1  }
0x1: {  	s6 =	rddreg [dreg:$0x0]  }
0x2: {  	s0 =	stileid.u32;
	s2 =	rddreg [dreg:$0x1]  }
0x3: {  	s1 =	srdreg.scid;
	s3 =	rddreg [dreg:$0x2]  }
0x4: {  	s4 =	simm.s32 $0x0;
	s16 =	simm.s32 $0x1;
	s17 =	simm.s32 $0x2  }
0x5: {  	s18 =	simm.s32 $0x3;
	s19 =	simm.s32 $0x4;
	s20 =	simm.s32 $0x80  }
0x6: {  	s21 =	simm.s32 $0x5200;
	s22 =	simm.s32 $0x7200;
	s23 =	simm.s32 $0x5  }
0x7: {  	s25 =	simm.s32 $0x0;
	s5 =	sand.u32 $0x1, s1;
	s10 =	smul.u32 $0xA000, s0  }
0x8: {  	s29 =	sshll.u32 s0, $0x1;
	s9 =	smul.u32 $0x1400, s0;
	[smem:$0x7FF] =	sst s4  }
0x9: {  	s24 =	sshll.u32 s0, $0x6;
	s1 =	sor.u32 s5, s29;
	s12 =	smul.u32 $0x14000, s5  }
0xa: {  	s30 =	ssub.s32 $0x2, s5;
	s5 =	sadd.s32 $0xD000, s6;
	s7 =	smul.u32 $0x540, s1  }
0xb: {  	s8 =	smul.u32 $0x500, s1;
	s1 =	rddreg [dreg:$0x3];
	s11 =	sshrl.u32 s10, $0x3  }
0xc: {  	_ =	strace $0x80000050;
	s31 =	sshrl.u32 s30, $0x1;
	s14 =	sadd.s32 s10, s2  }
0xd: {  	s15 =	sadd.s32 s10, s3;
	s11 =	sadd.s32 s11, s6;
	s9 =	sadd.s32 s9, s12  }
0xe: {  	s12 =	ssub.s32 s30, s31;
	s15 =	sshrl.u32 s15, $0x3;
	s7 =	sadd.s32 s7, s6  }
0xf: {  	s8 =	sadd.s32 s8, s6;
	s13 =	sadd.s32 s9, s6;
	s9 =	sor.u32 $0x1C03, s24  }
0x10: {  	s6 =	sadd.s32 $0x17800, s7;
	s7 =	sadd.s32 $0x3000, s8;
	s8 =	sadd.s32 $0x22000, s11  }
0x11: {  	s10 =	sadd.s32 $0x36000, s13;
	s11 =	smax.u32 s12, $0x1;
	s12 =	simm.s32 $0x2A00  }
0x12: {  	s13 =	sshrl.u32 s14, $0x3;
	s14 =	sor.u32 $0x1C04, s24;
	s24 =	sor.u32 $0x1C05, s24  }
.LBB2_1:
0x13: {  	[tilespmem:s4], [sflag:$0x1] =	stream.linear.gather [hbm4b:s6+s4], $0x2A00, $0x38;
	[tilespmem:$0x1D200] =	vst v63  }
0x14: {  	_ = 	snop  }
0x15: {  	[tilespmem:s12], [sflag:$0x2] =	stream.linear.gather [hbm4b:s7+s4], $0x2800, $0x38;
	[tilespmem:$0x1D200] =	vst v63  }
0x16: {  	[spmem:s13], [sflag:s9] =	dma.local [hbm:s8], $0x1400  }
0x17: {  	[spmem:s15], [sflag:s14] =	dma.local [hbm:s5], $0x1400  }
0x18: {  	_ =	swait.ge [sflag:s16], $0x2A00  }
0x19: {  	[sflag:s16] =	ssyncset.done $0x0  }
0x1a: {  	[sflag:s16] =	ssyncadd.s32 $0xFFFFD600  }
0x1b: {  	_ =	swait.ge [sflag:s17], $0x2800  }
0x1c: {  	[sflag:s17] =	ssyncset.done $0x0  }
0x1d: {  	[sflag:s17] =	ssyncadd.s32 $0xFFFFD800  }
0x1e: {  	_ =	swait.ge [sflag:s18], $0x1400  }
0x1f: {  	[sflag:s18] =	ssyncset.done $0x0  }
0x20: {  	[sflag:s18] =	ssyncadd.s32 $0xFFFFEC00  }
0x21: {  	_ =	swait.ge [sflag:s19], $0x1400  }
0x22: {  	[sflag:s19] =	ssyncset.done $0x0  }
0x23: {  	[sflag:s19] =	ssyncadd.s32 $0xFFFFEC00  }
0x24: {  	[bflag:$0x0] =	sbarrier.arrive $0xFFFF  }
0x25: {  	[tilespmem:s21], [sflag:$0x1] =	stream.indirect.gather [spmem:s2], $0x40, s4, s20, $0xb8;
	[tilespmem:$0x1D200] =	vst v63  }
0x26: {  	_ =	swait.ge [sflag:s16], $0x2000  }
0x27: {  	[sflag:s16] =	ssyncset.done $0x0  }
0x28: {  	s26 =	simm.s32 $0x80;
	[sflag:s16] =	ssyncadd.s32 $0xFFFFE000  }
0x29: {  	[tilespmem:s22], [sflag:$0x2] =	stream.indirect.gather [spmem:s2], $0x40, s26, s20, $0xb8;
	[tilespmem:$0x1D200] =	vst v63  }
0x2a: {  	s29 =	simm.s32 $0x2A00  }
0x2b: {  	[spmem:s3] =	stream.indirect.scatter.add.f32 [tilespmem:s21], [sflag:$0x5], $0x40, s29, s20, $0xb8;
	[tilespmem:$0x1D200] =	vst v63  }
0x2c: {  	_ =	swait.ge [sflag:s23], $0x2000  }
0x2d: {  	[sflag:s23] =	ssyncset.done $0x0  }
0x2e: {  	[sflag:s23] =	ssyncadd.s32 $0xFFFFE000  }
0x2f: {  	_ =	swait.ge [sflag:s17], $0x2000  }
0x30: {  	[sflag:s17] =	ssyncset.done $0x0  }
0x31: {  	s30 =	simm.s32 $0x100;
	[sflag:s17] =	ssyncadd.s32 $0xFFFFE000  }
0x32: {  	[tilespmem:s21], [sflag:$0x1] =	stream.indirect.gather [spmem:s2], $0x40, s30, s20, $0xb8;
	[tilespmem:$0x1D200] =	vst v63  }
0x33: {  	s31 =	simm.s32 $0x2A80  }
0x34: {  	[spmem:s3] =	stream.indirect.scatter.add.f32 [tilespmem:s22], [sflag:$0x5], $0x40, s31, s20, $0xb8;
	[tilespmem:$0x1D200] =	vst v63  }
0x35: {  	_ =	swait.ge [sflag:s23], $0x2000  }
0x36: {  	s26 =	simm.s32 $0x400;
	[sflag:s23] =	ssyncset.done $0x0  }
.LBB2_2:
0x37: {  	p0 =	sne.s32 s26, $0x9C00  }
0x38: {  	[sflag:s23] =	ssyncadd.s32 $0xFFFFE000;
	s28 =	smov.u32 s26;
	s26 =	sadd.s32 $0x400, s26  }
0x39: {  	_ = 	snop  }
0x3a: {  	_ =	swait.ge [sflag:s16], $0x2000  }
0x3b: {  	s28 =	sshra.s32 s28, $0x2;
	[sflag:s16] =	ssyncset.done $0x0  }
0x3c: {  	s29 =	sadd.s32 $0x80, s28;
	[sflag:s16] =	ssyncadd.s32 $0xFFFFE000  }
0x3d: {  	[tilespmem:s22], [sflag:$0x2] =	stream.indirect.gather [spmem:s2], $0x40, s29, s20, $0xb8;
	[tilespmem:$0x1D200] =	vst v63  }
0x3e: {  	s29 =	sadd.s32 $0x2A00, s28  }
0x3f: {  	[spmem:s3] =	stream.indirect.scatter.add.f32 [tilespmem:s21], [sflag:$0x5], $0x40, s29, s20, $0xb8;
	[tilespmem:$0x1D200] =	vst v63  }
0x40: {  	_ =	swait.ge [sflag:s23], $0x2000  }
0x41: {  	[sflag:s23] =	ssyncset.done $0x0  }
0x42: {  	[sflag:s23] =	ssyncadd.s32 $0xFFFFE000  }
0x43: {  	_ =	swait.ge [sflag:s17], $0x2000  }
0x44: {  	[sflag:s17] =	ssyncset.done $0x0  }
0x45: {  	s29 =	sadd.s32 $0x100, s28;
	[sflag:s17] =	ssyncadd.s32 $0xFFFFE000  }
0x46: {  	[tilespmem:s21], [sflag:$0x1] =	stream.indirect.gather [spmem:s2], $0x40, s29, s20, $0xb8;
	[tilespmem:$0x1D200] =	vst v63  }
.Ltmp0:
0x47: {  	_ = 	snop;
	(pc) =	sbr.rel @p0 .LBB2_2-.Ltmp0, $4  }
0x48: {  	s28 =	sadd.s32 $0x2A80, s28  }
0x49: {  	[spmem:s3] =	stream.indirect.scatter.add.f32 [tilespmem:s22], [sflag:$0x5], $0x40, s28, s20, $0xb8;
	[tilespmem:$0x1D200] =	vst v63  }
0x4a: {  	_ =	swait.ge [sflag:s23], $0x2000  }
0x4b: {  	[sflag:s23] =	ssyncset.done $0x0  }
0x4c: {  	[sflag:s23] =	ssyncadd.s32 $0xFFFFE000  }
0x4d: {  	_ =	swait.ge [sflag:s16], $0x2000  }
0x4e: {  	s25 =	sadd.s32 $0x1, s25;
	[sflag:s16] =	ssyncset.done $0x0  }
0x4f: {  	p0 =	sne.s32 s25, s11;
	[sflag:s16] =	ssyncadd.s32 $0xFFFFE000  }
.Ltmp1:
0x50: {  	[bflag:$0x0] =	sbarrier.arrive $0xFFFF;
	(pc) =	sbr.rel @p0 .LBB2_1-.Ltmp1, $4  }
0x51: {  	[hbm:s10], [sflag:s24] =	dma.local [spmem:s15], $0x1400  }
0x52: {  	_ =	swait.ge [sflag:s23], $0x1400  }
0x53: {  	[sflag:s23] =	ssyncset.done $0x0  }
0x54: {  	[sflag:s23] =	ssyncadd.s32 $0xFFFFEC00  }
0x55: {  	_ =	sfence.sel $0x180000  }
0x56: {  	[bflag:$0x0] =	sbarrier.arrive $0xFFFF  }
0x57: {  	p0 =	sne.s32 s0, $0x0;
	_ =	strace $0x90000050  }
0x58: {  	s0 =	sadd.s32 @!p0 $0x100000, s1;
	[bflag:$0x2] =	sbarrier.arrive $0xFFFF  }
0x59: {  	[sflag:s0] =	ssyncadd.tile.s32 @!p0 $0x1;
	_ =	shalt  }
.Lfunc_end2:
_tile_overlayer_lowered:
.L_overlay_start_2:
0x5a: {  	(tag) =	ssettag $0x2  }
0x5b: {  	s0 =	rddreg [dreg:$0x0];
	s2 =	stileid.u32  }
0x5c: {  	s1 =	rddreg [dreg:$0x1];
	p0 =	sne.s32 s2, $0x0  }
0x5d: {  	s3 =	rddreg [dreg:$0x2];
	[bflag:$0x3] =	sbarrier.arrive $0xFFFF;
	s2 =	simm.s32 @!p0 $0x1C05  }
0x5e: {  	[timem:s3], [sflag:s2] =	dma.local @!p0 [hbm:s0], s1  }
0x5f: {  	s0 =	simm.s32 @!p0 $0x5  }
0x60: {  	_ =	swait.ge @!p0 [sflag:s0], s1  }
0x61: {  	s1 =	ssub.s32 @!p0 $0x0, s1;
	[sflag:s0] =	ssyncset.done @!p0 $0x0  }
0x62: {  	[sflag:s0] =	ssyncadd.s32 @!p0 s1  }
0x63: {  	[bflag:$0x3] =	sbarrier.arrive $0xFFFF  }
0x64: {  	_ =	shalt  }

</sc_bundles>
